<compile_context>
chip_gen: v7x
topology: tpu7x:2x2x1
jax: 0.10.2.dev20260603
libtpu: 0.0.44.dev20260713+nightly
codegen_flags: <defaults>
</compile_context>

<pallas_src>
import functools

import jax
import jax.numpy as jnp
from jax import lax
from jax.experimental import pallas as pl
from jax.experimental.pallas import tpu as pltpu
from jax.experimental.pallas import tpu_sc as plsc

_C = 81
_KNOWN = 80
_KB = 5
_MKNN = 5
_DELTA = 0.6
_TAU = 0.1
_ALPHA = 0.9
_CQ = 750
_GCH = 80
_HI = lax.Precision.HIGHEST


def _nt(a, b, precision=_HI):
    return lax.dot_general(a, b, (((1,), (1,)), ((), ())), precision=precision,
                           preferred_element_type=jnp.float32)


def _nn(a, b, precision=_HI):
    return lax.dot_general(a, b, (((1,), (0,)), ((), ())), precision=precision,
                           preferred_element_type=jnp.float32)


def _tn(a, b, precision=_HI):
    return lax.dot_general(a, b, (((0,), (0,)), ((), ())), precision=precision,
                           preferred_element_type=jnp.float32)


def _split2(x):
    hi = x.astype(jnp.bfloat16)
    lo = (x - hi.astype(jnp.float32)).astype(jnp.bfloat16)
    return hi, lo


def _normalize(x):
    n = jnp.sqrt(jnp.sum(x * x, axis=1, keepdims=True))
    return x / jnp.maximum(n, 1e-12)


def _sc_gather(table, idxp, total, d):
    nw = 32
    npw = total // (nw * _GCH)
    mesh = plsc.VectorSubcoreMesh(core_axis_name="c", subcore_axis_name="s")

    @functools.partial(
        pl.kernel, mesh=mesh,
        out_type=jax.ShapeDtypeStruct((total, d), jnp.float32),
        scratch_types=[
            pltpu.VMEM((_GCH,), jnp.int32),
            pltpu.VMEM((_GCH, d), jnp.float32),
            pltpu.SemaphoreType.DMA,
        ],
    )
    def k(table_hbm, idx_hbm, out_hbm, idx_v, rows_v, sem):
        wid = lax.axis_index("s") * 2 + lax.axis_index("c")
        for j in range(npw):
            base = pl.multiple_of((wid * npw + j) * _GCH, _GCH)
            pltpu.sync_copy(idx_hbm.at[pl.ds(base, _GCH)], idx_v)
            pltpu.async_copy(table_hbm.at[idx_v], rows_v, sem).wait()
            pltpu.sync_copy(rows_v, out_hbm.at[pl.ds(base, _GCH)])

    return k(table, idxp)


def _main_body(obj_ref, matched_ref, src_ref, lab_ref, labc_ref,
               mflat_ref, labflat_ref, cm_ref, eye_ref, labfull_ref,
               w_ref, bias_ref, out_ref,
               protos_s, pn_s, negp_s, num_s, den_s, cols_s, segpos_s,
               pos_s, simbuf_ref):
    b = pl.program_id(0)
    nb = pl.num_programs(0)
    mq = matched_ref[0]
    src = src_ref[0]
    lab = lab_ref[0]
    labc = labc_ref[0]
    wcls = w_ref[...]
    bias = bias_ref[...]
    nm, d = mq.shape
    q = obj_ref.shape[1]
    f32 = jnp.float32

    @pl.when(b == 0)
    def _():
        mflat = mflat_ref[...]
        labf = labflat_ref[0]
        cm = cm_ref[...]
        ntot = mflat.shape[0]
        oh_t = (lax.broadcasted_iota(jnp.int32, (_C, ntot), 0) == labf
                ).astype(f32)
        m_hi, m_lo = _split2(mflat)
        oh_b = oh_t.astype(jnp.bfloat16)
        seg = _nn(oh_b, m_hi, None) + _nn(oh_b, m_lo, None)
        cnt = jnp.sum(oh_t, axis=1, keepdims=True)
        means = seg / jnp.maximum(cnt, 1.0)
        upd = _normalize(_ALPHA * cm + (1.0 - _ALPHA) * means)
        protos0 = jnp.where(cnt > 0.0, upd, cm)
        protos_s[...] = protos0
        pn0 = _normalize(protos0)
        pn_s[...] = pn0
        pmat = _nt(pn0, pn0) / _TAU
        expp = jnp.exp(pmat)
        eyec = (lax.broadcasted_iota(jnp.int32, (_C, _C), 0)
                == lax.broadcasted_iota(jnp.int32, (_C, _C), 1))
        negp_s[...] = (jnp.sum(expp, axis=1, keepdims=True)
                       - jnp.sum(jnp.where(eyec, expp, 0.0), axis=1,
                                 keepdims=True))
        num_s[...] = jnp.zeros_like(num_s)
        den_s[...] = jnp.zeros_like(den_s)
        cols_s[...] = jnp.zeros_like(cols_s)
        segpos_s[...] = jnp.zeros_like(segpos_s)

    protos = protos_s[...]
    pn = pn_s[...]

    mnorm = jnp.sqrt(jnp.sum(mq * mq, axis=1, keepdims=True))
    mn = mq / jnp.maximum(mnorm, 1e-12)
    mn_hi, mn_lo = _split2(mn)

    oh_lab = (lax.broadcasted_iota(jnp.int32, (nm, _C), 1) == labc
              ).astype(f32)
    pg = _nn(oh_lab, protos)
    diff = mq - pg
    d2_col = jnp.sum(diff * diff, axis=1, keepdims=True)
    mT = jnp.where(oh_lab > 0, d2_col, -1.0)
    t5r = None
    for _ in range(_KB):
        mm = mT if t5r is None else jnp.where(mT < t5r, mT, -1.0)
        t5r = jnp.max(mm, axis=0, keepdims=True)
    t5_own = jnp.sum(oh_lab * t5r, axis=1, keepdims=True)
    sel = d2_col >= t5_own

    nc = q // _CQ
    cands = []
    for c in range(nc):
        c0 = c * _CQ
        objc = obj_ref[0, pl.ds(c0, _CQ), :]
        qnorm = jnp.sqrt(jnp.sum(objc * objc, axis=1, keepdims=True))
        allnc = objc / jnp.maximum(qnorm, 1e-12)
        a_hi, a_lo = _split2(allnc)
        simc = (_nt(a_hi, mn_hi, None) + _nt(a_hi, mn_lo, None)
                + _nt(a_lo, mn_hi, None))
        ism = jnp.any(lax.broadcasted_iota(jnp.int32, (_CQ, nm), 0)
                      == (src - c0), axis=1, keepdims=True)
        simc = jnp.where(ism, -4.0, simc)
        simbuf_ref[pl.ds(c0, _CQ), :] = simc
        tloc = None
        for _ in range(_MKNN):
            sc = simc if tloc is None else jnp.where(simc < tloc, simc, -4.0)
            tloc = jnp.max(sc, axis=0, keepdims=True)
            cands.append(tloc)

    cand = jnp.concatenate(cands, axis=0)
    t5s = None
    for _ in range(_MKNN):
        cm2 = cand if t5s is None else jnp.where(cand < t5s, cand, -4.0)
        t5s = jnp.max(cm2, axis=0, keepdims=True)

    nv_row = jnp.zeros((1, nm), f32)
    neigh = jnp.zeros_like(mq)
    for c in range(nc):
        c0 = c * _CQ
        sc = simbuf_ref[pl.ds(c0, _CQ), :]
        wcb = (sc > _DELTA) & (sc >= t5s)
        nv_row = nv_row + jnp.sum(wcb.astype(f32), axis=0, keepdims=True)
        wc = wcb.astype(jnp.bfloat16)
        o_hi, o_lo = _split2(obj_ref[0, pl.ds(c0, _CQ), :])
        neigh = neigh + _tn(wc, o_hi, None) + _tn(wc, o_lo, None)
    nv = _nt(eye_ref[...], nv_row)
    g = (mq + neigh) / (1.0 + nv)

    logits = _nt(g, wcls) + bias
    mx = jnp.max(logits, axis=1, keepdims=True)
    lse = jnp.log(jnp.sum(jnp.exp(logits - mx), axis=1, keepdims=True)) + mx
    lastcol = (lax.broadcasted_iota(jnp.int32, (nm, _C), 1) == (_C - 1))
    ce = lse - jnp.sum(jnp.where(lastcol, logits, 0.0), axis=1, keepdims=True)

    valid = (sel & (nv > 0)).astype(f32)

    s_t = _nt(pn, mn) / _TAU
    exps = jnp.exp(s_t)
    oh_lab_t = (lax.broadcasted_iota(jnp.int32, (_C, nm), 0) == lab
                ).astype(f32)
    pos_row = jnp.sum(jnp.where(oh_lab_t > 0, s_t, 0.0), axis=0,
                      keepdims=True)
    pos_s[pl.ds(b, 1), :] = pos_row

    num_s[...] += jnp.sum(ce * valid)
    den_s[...] += jnp.sum(valid)
    cols_s[...] += jnp.sum(exps, axis=1, keepdims=True)
    segpos_s[...] += jnp.sum(jnp.where(oh_lab_t > 0, exps, 0.0), axis=1,
                             keepdims=True)

    @pl.when(b == nb - 1)
    def _():
        num = num_s[0, 0]
        den = den_s[0, 0]
        loss_sul = jnp.where(den > 0.0, num / jnp.maximum(den, 1.0), 0.0)
        neg = negp_s[...] + cols_s[...] - segpos_s[...]
        total = jnp.float32(0.0)
        for bi in range(nb):
            lab_b = labfull_ref[bi]
            pos_b = pos_s[pl.ds(bi, 1), :]
            oh2 = (lax.broadcasted_iota(jnp.int32, (_C, nm), 0) == lab_b)
            negl = jnp.sum(jnp.where(oh2, neg, 0.0), axis=0)[None, :]
            e = jnp.exp(pos_b)
            li = jnp.log((e + negl + 1e-8) / e)
            total = total + jnp.sum(li)
        loss_cec = total / jnp.float32(nb * nm)
        lane = lax.broadcasted_iota(jnp.int32, (1, 2), 1)
        out_ref[...] = jnp.where(lane == 0, loss_sul, loss_cec)


def kernel(obj_embs, cls_means, W_cls, b_cls, src_idx, tgt_labels):
    bsz, q, d = obj_embs.shape
    nm = src_idx.shape[1]
    src3 = src_idx.reshape(bsz, 1, nm).astype(jnp.int32)
    lab3 = tgt_labels.reshape(bsz, 1, nm).astype(jnp.int32)
    labc3 = tgt_labels.reshape(bsz, nm, 1).astype(jnp.int32)
    labflat3 = tgt_labels.reshape(1, 1, bsz * nm).astype(jnp.int32)
    bias2 = b_cls.reshape(1, _C)
    eye_nm = jnp.eye(nm, dtype=jnp.float32)
    f32 = jnp.float32
    ntot = bsz * nm

    npad = ((ntot + 32 * _GCH - 1) // (32 * _GCH)) * 32 * _GCH
    gidx = (src_idx.astype(jnp.int32)
            + (jnp.arange(bsz, dtype=jnp.int32) * q)[:, None]).reshape(-1)
    idxp = jnp.pad(gidx, (0, npad - ntot))
    mpad = _sc_gather(obj_embs.reshape(bsz * q, d), idxp, npad, d)
    mflat = mpad[:ntot]
    matched = mflat.reshape(bsz, nm, d)

    out = pl.pallas_call(
        _main_body,
        grid=(bsz,),
        in_specs=[
            pl.BlockSpec((1, q, d), lambda b: (b, 0, 0)),
            pl.BlockSpec((1, nm, d), lambda b: (b, 0, 0)),
            pl.BlockSpec((1, 1, nm), lambda b: (b, 0, 0)),
            pl.BlockSpec((1, 1, nm), lambda b: (b, 0, 0)),
            pl.BlockSpec((1, nm, 1), lambda b: (b, 0, 0)),
            pl.BlockSpec((ntot, d), lambda b: (0, 0)),
            pl.BlockSpec((1, 1, ntot), lambda b: (0, 0, 0)),
            pl.BlockSpec((_C, d), lambda b: (0, 0)),
            pl.BlockSpec((nm, nm), lambda b: (0, 0)),
            pl.BlockSpec((bsz, 1, nm), lambda b: (0, 0, 0)),
            pl.BlockSpec((_C, d), lambda b: (0, 0)),
            pl.BlockSpec((1, _C), lambda b: (0, 0)),
        ],
        out_specs=pl.BlockSpec((1, 2), lambda b: (0, 0)),
        out_shape=jax.ShapeDtypeStruct((1, 2), f32),
        scratch_shapes=[
            pltpu.VMEM((_C, d), f32),
            pltpu.VMEM((_C, d), f32),
            pltpu.VMEM((_C, 1), f32),
            pltpu.VMEM((1, 1), f32),
            pltpu.VMEM((1, 1), f32),
            pltpu.VMEM((_C, 1), f32),
            pltpu.VMEM((_C, 1), f32),
            pltpu.VMEM((bsz, nm), f32),
            pltpu.VMEM((q, nm), f32),
        ],
    )(obj_embs, matched, src3, lab3, labc3, mflat, labflat3, cls_means,
      eye_nm, lab3, W_cls, bias2)

    return out.reshape(2)

# --- scband reference (transcript-rebuilt; emitter-appended) ---
"""Pipeline reference for scband-asgscriterion-62715112456404 (READ-ONLY COPY).

The authoritative reference and input builder live on the scoring server;
editing this copy changes nothing except your own understanding.
"""

import jax, jax.numpy as jnp
import numpy as np

NUM_CLASSES = 81
NUM_KNOWN = 80
K_B = 5
M_KNN = 5
DELTA = 0.6
TAU = 0.1
ALPHA = 0.9

def _normalize(x):
    return x / jnp.maximum(jnp.linalg.norm(x, axis=-1, keepdims=True), 1e-12)

def setup_inputs(seed: int = 0):
    key = jax.random.key(seed)
    ks = jax.random.split(key, 8)
    B, Q, D, C, Nm = 16, 3000, 256, NUM_CLASSES, 300
    centers = jax.random.normal(ks[0], (C, D), jnp.float32)
    assign = jax.random.randint(ks[1], (B, Q), 0, NUM_KNOWN)
    obj_embs = centers[assign] + 0.5 * jax.random.normal(ks[2], (B, Q, D), jnp.float32)
    src_idx = jnp.stack([jax.random.permutation(jax.random.fold_in(ks[3], b), Q)[:Nm] for b in range(B)]).astype(jnp.int32)
    tgt_labels = jnp.take_along_axis(assign, src_idx, axis=1).astype(jnp.int32)
    cls_means = _normalize(jax.random.normal(ks[4], (C, D), jnp.float32))
    W_cls = 0.05 * jax.random.normal(ks[5], (C, D), jnp.float32)
    b_cls = jnp.zeros((C,), jnp.float32)
    return {'obj_embs': obj_embs, 'cls_means': cls_means, 'W_cls': W_cls, 'b_cls': b_cls, 'src_idx': src_idx, 'tgt_labels': tgt_labels}

def _forward(obj_embs, cls_means, W_cls, b_cls, src_idx, tgt_labels):
    B, Q, D = obj_embs.shape
    C = cls_means.shape[0]
    matched = jnp.take_along_axis(obj_embs, src_idx[..., None], axis=1)
    mflat = matched.reshape(-1, D)
    lflat = tgt_labels.reshape(-1)
    # ---- update_prototypes (EMA, no-grad, Eq 1) ----
    sums = jax.ops.segment_sum(mflat, lflat, num_segments=C)
    counts = jnp.bincount(lflat, length=C)
    means = sums / jnp.maximum(counts, 1)[:, None]
    upd = _normalize(ALPHA * cls_means + (1.0 - ALPHA) * means)
    protos = jnp.where((counts > 0)[:, None], upd, cls_means)
    protos = jax.lax.stop_gradient(protos)
    # ---- SUL loss (Eq 3): boundary top-K by distance, kNN retrieval of unmatched ----
    def sul_batch(obj_b, src_b, lab_b):
        is_m = jnp.zeros((Q,), bool).at[src_b].set(True)
        mq = obj_b[src_b]
        alln = _normalize(obj_b)
        def per_class(k):
            d = jnp.linalg.norm(mq - protos[k][None, :], axis=1)
            d = jnp.where(lab_b == k, d, -jnp.inf)
            vals, bidx = jax.lax.top_k(d, K_B)
            bval = jnp.isfinite(vals)
            bs = mq[bidx]
            bn = _normalize(bs)
            sim = bn @ alln.T
            sim = jnp.where(is_m[None, :], -jnp.inf, sim)
            sv, tm = jax.lax.top_k(sim, M_KNN)
            valid = (sv > DELTA) & bval[:, None]
            neigh = obj_b[tm]
            nv = valid.sum(axis=-1)
            g = (bs + (neigh * valid[..., None].astype(obj_b.dtype)).sum(axis=1)) / (1.0 + nv.astype(obj_b.dtype))[:, None]
            return g, bval & (nv > 0)
        return jax.vmap(per_class)(jnp.arange(NUM_KNOWN))
    g_all, v_all = jax.vmap(sul_batch)(obj_embs, src_idx, tgt_labels)
    g_flat = g_all.reshape(-1, D)
    v_flat = v_all.reshape(-1).astype(jnp.float32)
    logits = g_flat @ W_cls.T + b_cls[None, :]
    ce = jax.nn.logsumexp(logits, axis=-1) - logits[:, C - 1]
    n_sg = v_flat.sum()
    loss_sul = jnp.where(n_sg > 0, (ce * v_flat).sum() / jnp.maximum(n_sg, 1.0), 0.0)
    # ---- CEC loss (Eq 5, InfoNCE against prototype bank) ----
    en = _normalize(mflat)
    pn = _normalize(protos)
    S = en @ pn.T / TAU
    P = pn @ pn.T / TAU
    expS = jnp.exp(S)
    expP = jnp.exp(P)
    neg_proto = expP.sum(axis=0) - jnp.diag(expP)
    oh = jax.nn.one_hot(lflat, C, dtype=jnp.float32)
    neg_emb = (expS * (1.0 - oh)).sum(axis=0)
    neg = neg_proto + neg_emb
    li = -jnp.log(expS / (expS + neg[None, :] + 1e-8))
    known = (jnp.arange(C) < NUM_KNOWN).astype(jnp.float32)
    pos_w = oh * known[None, :]
    cnt = pos_w.sum()
    loss_cec = jnp.where(cnt > 0, (li * pos_w).sum() / jnp.maximum(cnt, 1.0), 0.0)
    return jnp.stack([loss_sul, loss_cec])

def reference(obj_embs, cls_means, W_cls, b_cls, src_idx, tgt_labels):
    return _forward(obj_embs, cls_means, W_cls, b_cls, src_idx, tgt_labels)

if __name__ == "__main__":
    import jax
    _d = setup_inputs()
    print(jax.jit(kernel)(*tuple(_d.values())))

</pallas_src>

<mosaic_0001>
#map = affine_map<(d0, d1) -> (0, 0)>
#map1 = affine_map<(d0, d1) -> (0)>
module attributes {stable_mosaic.version = 14 : i64} {
  func.func @k(%arg0: i32, %arg1: i32, %arg2: memref<48000x256xf32, #tpu.memory_space<hbm>>, %arg3: memref<5120xi32, #tpu.memory_space<hbm>>, %arg4: memref<5120x256xf32, #tpu.memory_space<hbm>>, %arg5: memref<80xi32, #tpu.memory_space<vmem>>, %arg6: memref<80x256xf32, #tpu.memory_space<vmem>>, %arg7: memref<!tpu.dma_semaphore, #tpu.memory_space<semaphore_mem>>) attributes {dimension_semantics = [#tpu.dimension_semantics<core_parallel>, #tpu.dimension_semantics<subcore_parallel>], iteration_bounds = array<i64: 2, 16>, scalar_prefetch = 0 : i64, scratch_operands = 3 : i64, tpu.core_type = #tpu.core_type<sc_vector_subcore>, window_params = [{transform_indices = #map}, {transform_indices = #map1}, {transform_indices = #map}]} {
    %mul3A = arith.constant 2 : i32
    %mul3A_0 = arith.muli %arg1, %mul3A : i32
    %add3A = arith.addi %mul3A_0, %arg0 : i32
    %mul3A_1 = arith.constant 2 : i32
    %mul3A_2 = arith.muli %add3A, %mul3A_1 : i32
    %add3A_3 = arith.constant 0 : i32
    %add3A_4 = arith.addi %mul3A_2, %add3A_3 : i32
    %mul3A_5 = arith.constant 80 : i32
    %mul3A_6 = arith.muli %add3A_4, %mul3A_5 : i32
    %multiple_of3A = tpu.assume_multiple %mul3A_6, 80 : i32
    "tpu.region"() ({
      %run_scoped3A = tpu.sem_alloc : memref<!tpu.dma_semaphore, #tpu.memory_space<semaphore_mem>>
      %dma_start3A_24 = tpu.memref_slice %arg3[%multiple_of3A] : memref<5120xi32, #tpu.memory_space<hbm>> -> memref<80xi32, #tpu.memory_space<hbm>>
      %dma_start3A_25 = tpu.memref_slice %arg3[%multiple_of3A] : memref<5120xi32, #tpu.memory_space<hbm>> -> memref<80xi32, #tpu.memory_space<hbm>>
      tpu.enqueue_dma source(%dma_start3A_25 : memref<80xi32, #tpu.memory_space<hbm>>) target(%arg5 : memref<80xi32, #tpu.memory_space<vmem>>) target_semaphore(%run_scoped3A : memref<!tpu.dma_semaphore, #tpu.memory_space<semaphore_mem>>)
      %dma_wait3A_26 = tpu.memref_slice %arg3[%multiple_of3A] : memref<5120xi32, #tpu.memory_space<hbm>> -> memref<80xi32, #tpu.memory_space<hbm>>
      %dma_wait3A_27 = tpu.memref_slice %arg3[%multiple_of3A] : memref<5120xi32, #tpu.memory_space<hbm>> -> memref<80xi32, #tpu.memory_space<hbm>>
      tpu.wait_dma2 semaphore(%run_scoped3A : memref<!tpu.dma_semaphore, #tpu.memory_space<semaphore_mem>>) src(%dma_wait3A_27 : memref<80xi32, #tpu.memory_space<hbm>>) dst(%arg5 : memref<80xi32, #tpu.memory_space<vmem>>)
      tpu.yield
    }) : () -> ()
    %dma_start3A = arith.constant 0 : i32
    %dma_start3A_7 = arith.constant 0 : i32
    %dma_start3A_8 = tpu.memref_slice %arg2[%dma_start3A, %dma_start3A_7] : memref<48000x256xf32, #tpu.memory_space<hbm>> -> memref<48000x256xf32, #tpu.memory_space<hbm>>
    tpu.enqueue_indirect_dma source(%dma_start3A_8 : memref<48000x256xf32, #tpu.memory_space<hbm>>) target(%arg6 : memref<80x256xf32, #tpu.memory_space<vmem>>) offsets(%arg5 : memref<80xi32, #tpu.memory_space<vmem>>) semaphore(%arg7 : memref<!tpu.dma_semaphore, #tpu.memory_space<semaphore_mem>>)
    %dma_wait3A = arith.constant 0 : i32
    %dma_wait3A_9 = arith.constant 0 : i32
    %dma_wait3A_10 = tpu.memref_slice %arg2[%dma_wait3A, %dma_wait3A_9] : memref<48000x256xf32, #tpu.memory_space<hbm>> -> memref<48000x256xf32, #tpu.memory_space<hbm>>
    tpu.wait_indirect_dma semaphore(%arg7 : memref<!tpu.dma_semaphore, #tpu.memory_space<semaphore_mem>>) src(%dma_wait3A_10 : memref<48000x256xf32, #tpu.memory_space<hbm>>) dst(%arg6 : memref<80x256xf32, #tpu.memory_space<vmem>>)
    "tpu.region"() ({
      %run_scoped3A = tpu.sem_alloc : memref<!tpu.dma_semaphore, #tpu.memory_space<semaphore_mem>>
      %dma_start3A_24 = arith.constant 0 : i32
      %dma_start3A_25 = tpu.memref_slice %arg4[%multiple_of3A, %dma_start3A_24] : memref<5120x256xf32, #tpu.memory_space<hbm>> -> memref<80x256xf32, #tpu.memory_space<hbm>>
      %dma_start3A_26 = arith.constant 0 : i32
      %dma_start3A_27 = tpu.memref_slice %arg4[%multiple_of3A, %dma_start3A_26] : memref<5120x256xf32, #tpu.memory_space<hbm>> -> memref<80x256xf32, #tpu.memory_space<hbm>>
      tpu.enqueue_dma source(%arg6 : memref<80x256xf32, #tpu.memory_space<vmem>>) target(%dma_start3A_27 : memref<80x256xf32, #tpu.memory_space<hbm>>) target_semaphore(%run_scoped3A : memref<!tpu.dma_semaphore, #tpu.memory_space<semaphore_mem>>)
      %dma_wait3A_28 = arith.constant 0 : i32
      %dma_wait3A_29 = tpu.memref_slice %arg4[%multiple_of3A, %dma_wait3A_28] : memref<5120x256xf32, #tpu.memory_space<hbm>> -> memref<80x256xf32, #tpu.memory_space<hbm>>
      %dma_wait3A_30 = arith.constant 0 : i32
      %dma_wait3A_31 = tpu.memref_slice %arg4[%multiple_of3A, %dma_wait3A_30] : memref<5120x256xf32, #tpu.memory_space<hbm>> -> memref<80x256xf32, #tpu.memory_space<hbm>>
      tpu.wait_dma2 semaphore(%run_scoped3A : memref<!tpu.dma_semaphore, #tpu.memory_space<semaphore_mem>>) src(%arg6 : memref<80x256xf32, #tpu.memory_space<vmem>>) dst(%dma_wait3A_31 : memref<80x256xf32, #tpu.memory_space<hbm>>)
      tpu.yield
    }) : () -> ()
    %mul3A_11 = arith.constant 2 : i32
    %mul3A_12 = arith.muli %add3A, %mul3A_11 : i32
    %add3A_13 = arith.constant 1 : i32
    %add3A_14 = arith.addi %mul3A_12, %add3A_13 : i32
    %mul3A_15 = arith.constant 80 : i32
    %mul3A_16 = arith.muli %add3A_14, %mul3A_15 : i32
    %multiple_of3A_17 = tpu.assume_multiple %mul3A_16, 80 : i32
    "tpu.region"() ({
      %run_scoped3A = tpu.sem_alloc : memref<!tpu.dma_semaphore, #tpu.memory_space<semaphore_mem>>
      %dma_start3A_24 = tpu.memref_slice %arg3[%multiple_of3A_17] : memref<5120xi32, #tpu.memory_space<hbm>> -> memref<80xi32, #tpu.memory_space<hbm>>
      %dma_start3A_25 = tpu.memref_slice %arg3[%multiple_of3A_17] : memref<5120xi32, #tpu.memory_space<hbm>> -> memref<80xi32, #tpu.memory_space<hbm>>
      tpu.enqueue_dma source(%dma_start3A_25 : memref<80xi32, #tpu.memory_space<hbm>>) target(%arg5 : memref<80xi32, #tpu.memory_space<vmem>>) target_semaphore(%run_scoped3A : memref<!tpu.dma_semaphore, #tpu.memory_space<semaphore_mem>>)
      %dma_wait3A_26 = tpu.memref_slice %arg3[%multiple_of3A_17] : memref<5120xi32, #tpu.memory_space<hbm>> -> memref<80xi32, #tpu.memory_space<hbm>>
      %dma_wait3A_27 = tpu.memref_slice %arg3[%multiple_of3A_17] : memref<5120xi32, #tpu.memory_space<hbm>> -> memref<80xi32, #tpu.memory_space<hbm>>
      tpu.wait_dma2 semaphore(%run_scoped3A : memref<!tpu.dma_semaphore, #tpu.memory_space<semaphore_mem>>) src(%dma_wait3A_27 : memref<80xi32, #tpu.memory_space<hbm>>) dst(%arg5 : memref<80xi32, #tpu.memory_space<vmem>>)
      tpu.yield
    }) : () -> ()
    %dma_start3A_18 = arith.constant 0 : i32
    %dma_start3A_19 = arith.constant 0 : i32
    %dma_start3A_20 = tpu.memref_slice %arg2[%dma_start3A_18, %dma_start3A_19] : memref<48000x256xf32, #tpu.memory_space<hbm>> -> memref<48000x256xf32, #tpu.memory_space<hbm>>
    tpu.enqueue_indirect_dma source(%dma_start3A_20 : memref<48000x256xf32, #tpu.memory_space<hbm>>) target(%arg6 : memref<80x256xf32, #tpu.memory_space<vmem>>) offsets(%arg5 : memref<80xi32, #tpu.memory_space<vmem>>) semaphore(%arg7 : memref<!tpu.dma_semaphore, #tpu.memory_space<semaphore_mem>>)
    %dma_wait3A_21 = arith.constant 0 : i32
    %dma_wait3A_22 = arith.constant 0 : i32
    %dma_wait3A_23 = tpu.memref_slice %arg2[%dma_wait3A_21, %dma_wait3A_22] : memref<48000x256xf32, #tpu.memory_space<hbm>> -> memref<48000x256xf32, #tpu.memory_space<hbm>>
    tpu.wait_indirect_dma semaphore(%arg7 : memref<!tpu.dma_semaphore, #tpu.memory_space<semaphore_mem>>) src(%dma_wait3A_23 : memref<48000x256xf32, #tpu.memory_space<hbm>>) dst(%arg6 : memref<80x256xf32, #tpu.memory_space<vmem>>)
    "tpu.region"() ({
      %run_scoped3A = tpu.sem_alloc : memref<!tpu.dma_semaphore, #tpu.memory_space<semaphore_mem>>
      %dma_start3A_24 = arith.constant 0 : i32
      %dma_start3A_25 = tpu.memref_slice %arg4[%multiple_of3A_17, %dma_start3A_24] : memref<5120x256xf32, #tpu.memory_space<hbm>> -> memref<80x256xf32, #tpu.memory_space<hbm>>
      %dma_start3A_26 = arith.constant 0 : i32
      %dma_start3A_27 = tpu.memref_slice %arg4[%multiple_of3A_17, %dma_start3A_26] : memref<5120x256xf32, #tpu.memory_space<hbm>> -> memref<80x256xf32, #tpu.memory_space<hbm>>
      tpu.enqueue_dma source(%arg6 : memref<80x256xf32, #tpu.memory_space<vmem>>) target(%dma_start3A_27 : memref<80x256xf32, #tpu.memory_space<hbm>>) target_semaphore(%run_scoped3A : memref<!tpu.dma_semaphore, #tpu.memory_space<semaphore_mem>>)
      %dma_wait3A_28 = arith.constant 0 : i32
      %dma_wait3A_29 = tpu.memref_slice %arg4[%multiple_of3A_17, %dma_wait3A_28] : memref<5120x256xf32, #tpu.memory_space<hbm>> -> memref<80x256xf32, #tpu.memory_space<hbm>>
      %dma_wait3A_30 = arith.constant 0 : i32
      %dma_wait3A_31 = tpu.memref_slice %arg4[%multiple_of3A_17, %dma_wait3A_30] : memref<5120x256xf32, #tpu.memory_space<hbm>> -> memref<80x256xf32, #tpu.memory_space<hbm>>
      tpu.wait_dma2 semaphore(%run_scoped3A : memref<!tpu.dma_semaphore, #tpu.memory_space<semaphore_mem>>) src(%arg6 : memref<80x256xf32, #tpu.memory_space<vmem>>) dst(%dma_wait3A_31 : memref<80x256xf32, #tpu.memory_space<hbm>>)
      tpu.yield
    }) : () -> ()
    return
  }
}

module attributes {stable_mosaic.version = 14 : i64} {
  func.func @_main_body(%arg0: i32, %arg1: memref<1x3000x256xf32, #tpu.memory_space<vmem>>, %arg2: memref<1x300x256xf32, #tpu.memory_space<vmem>>, %arg3: memref<1x1x300xi32, #tpu.memory_space<vmem>>, %arg4: memref<1x1x300xi32, #tpu.memory_space<vmem>>, %arg5: memref<1x300x1xi32, #tpu.memory_space<vmem>>, %arg6: memref<4800x256xf32, #tpu.memory_space<vmem>>, %arg7: memref<1x1x4800xi32, #tpu.memory_space<vmem>>, %arg8: memref<81x256xf32, #tpu.memory_space<vmem>>, %arg9: memref<300x300xf32, #tpu.memory_space<vmem>>, %arg10: memref<16x1x300xi32, #tpu.memory_space<vmem>>, %arg11: memref<81x256xf32, #tpu.memory_space<vmem>>, %arg12: memref<1x81xf32, #tpu.memory_space<vmem>>, %arg13: memref<1x2xf32, #tpu.memory_space<vmem>>, %arg14: memref<81x256xf32, #tpu.memory_space<vmem>>, %arg15: memref<81x256xf32, #tpu.memory_space<vmem>>, %arg16: memref<81x1xf32, #tpu.memory_space<vmem>>, %arg17: memref<1x1xf32, #tpu.memory_space<vmem>>, %arg18: memref<1x1xf32, #tpu.memory_space<vmem>>, %arg19: memref<81x1xf32, #tpu.memory_space<vmem>>, %arg20: memref<81x1xf32, #tpu.memory_space<vmem>>, %arg21: memref<16x300xf32, #tpu.memory_space<vmem>>, %arg22: memref<3000x300xf32, #tpu.memory_space<vmem>>) attributes {dimension_semantics = [#tpu.dimension_semantics<arbitrary>], iteration_bounds = array<i64: 16>, scalar_prefetch = 0 : i64, scratch_operands = 9 : i64, tpu.core_type = #tpu.core_type<tc>, window_params = [{transform_indices = @transform_0, window_bounds = array<i64: 1, 3000, 256>}, {transform_indices = @transform_1, window_bounds = array<i64: 1, 300, 256>}, {transform_indices = @transform_2, window_bounds = array<i64: 1, 1, 300>}, {transform_indices = @transform_3, window_bounds = array<i64: 1, 1, 300>}, {transform_indices = @transform_4, window_bounds = array<i64: 1, 300, 1>}, {pipeline_mode = #tpu.pipeline_mode<synchronous>, transform_indices = @transform_5, window_bounds = array<i64: 4800, 256>}, {pipeline_mode = #tpu.pipeline_mode<synchronous>, transform_indices = @transform_6, window_bounds = array<i64: 1, 1, 4800>}, {pipeline_mode = #tpu.pipeline_mode<synchronous>, transform_indices = @transform_7, window_bounds = array<i64: 81, 256>}, {pipeline_mode = #tpu.pipeline_mode<synchronous>, transform_indices = @transform_8, window_bounds = array<i64: 300, 300>}, {pipeline_mode = #tpu.pipeline_mode<synchronous>, transform_indices = @transform_9, window_bounds = array<i64: 16, 1, 300>}, {pipeline_mode = #tpu.pipeline_mode<synchronous>, transform_indices = @transform_10, window_bounds = array<i64: 81, 256>}, {pipeline_mode = #tpu.pipeline_mode<synchronous>, transform_indices = @transform_11, window_bounds = array<i64: 1, 81>}, {pipeline_mode = #tpu.pipeline_mode<synchronous>, transform_indices = @transform_12, window_bounds = array<i64: 1, 2>}]} {
    %get3A = arith.constant 0 : index
    %get3A_0 = arith.constant 0 : index
    %get3A_1 = arith.constant 0 : index
    %get3A_2 = vector.load %arg2[%get3A, %get3A_0, %get3A_1] : memref<1x300x256xf32, #tpu.memory_space<vmem>>, vector<1x300x256xf32>
    %get3A_3 = vector.shape_cast %get3A_2 : vector<1x300x256xf32> to vector<300x256xf32>
    %get3A_4 = arith.constant 0 : index
    %get3A_5 = arith.constant 0 : index
    %get3A_6 = arith.constant 0 : index
    %get3A_7 = vector.load %arg3[%get3A_4, %get3A_5, %get3A_6] : memref<1x1x300xi32, #tpu.memory_space<vmem>>, vector<1x1x300xi32>
    %get3A_8 = vector.shape_cast %get3A_7 : vector<1x1x300xi32> to vector<1x300xi32>
    %get3A_9 = arith.constant 0 : index
    %get3A_10 = arith.constant 0 : index
    %get3A_11 = arith.constant 0 : index
    %get3A_12 = vector.load %arg4[%get3A_9, %get3A_10, %get3A_11] : memref<1x1x300xi32, #tpu.memory_space<vmem>>, vector<1x1x300xi32>
    %get3A_13 = vector.shape_cast %get3A_12 : vector<1x1x300xi32> to vector<1x300xi32>
    %get3A_14 = arith.constant 0 : index
    %get3A_15 = arith.constant 0 : index
    %get3A_16 = arith.constant 0 : index
    %get3A_17 = vector.load %arg5[%get3A_14, %get3A_15, %get3A_16] : memref<1x300x1xi32, #tpu.memory_space<vmem>>, vector<1x300x1xi32>
    %get3A_18 = vector.shape_cast %get3A_17 : vector<1x300x1xi32> to vector<300x1xi32>
    %get3A_19 = arith.constant 0 : index
    %get3A_20 = arith.constant 0 : index
    %get3A_21 = vector.load %arg11[%get3A_19, %get3A_20] : memref<81x256xf32, #tpu.memory_space<vmem>>, vector<81x256xf32>
    %get3A_22 = arith.constant 0 : index
    %get3A_23 = arith.constant 0 : index
    %get3A_24 = vector.load %arg12[%get3A_22, %get3A_23] : memref<1x81xf32, #tpu.memory_space<vmem>>, vector<1x81xf32>
    %eq3A = arith.constant 0 : i32
    %eq3A_25 = arith.cmpi eq, %arg0, %eq3A : i32
    %convert_element_type3A = arith.extui %eq3A_25 : i1 to i32
    %cond3A = arith.constant 0 : i32
    %cond3A_26 = arith.cmpi ne, %convert_element_type3A, %cond3A : i32
    scf.if %cond3A_26 {
      %get3A_730 = arith.constant 0 : index
      %get3A_731 = arith.constant 0 : index
      %get3A_732 = vector.load %arg6[%get3A_730, %get3A_731] : memref<4800x256xf32, #tpu.memory_space<vmem>>, vector<4800x256xf32>
      %get3A_733 = arith.constant 0 : index
      %get3A_734 = arith.constant 0 : index
      %get3A_735 = arith.constant 0 : index
      %get3A_736 = vector.load %arg7[%get3A_733, %get3A_734, %get3A_735] : memref<1x1x4800xi32, #tpu.memory_space<vmem>>, vector<1x1x4800xi32>
      %get3A_737 = vector.shape_cast %get3A_736 : vector<1x1x4800xi32> to vector<1x4800xi32>
      %get3A_738 = arith.constant 0 : index
      %get3A_739 = arith.constant 0 : index
      %get3A_740 = vector.load %arg8[%get3A_738, %get3A_739] : memref<81x256xf32, #tpu.memory_space<vmem>>, vector<81x256xf32>
      %iota3A_741 = tpu.iota {dimensions = array<i32: 0>} : vector<81x4800xi32>
      %eq3A_742 = vector.broadcast %get3A_737 : vector<1x4800xi32> to vector<81x4800xi32>
      %eq3A_743 = arith.cmpi eq, %iota3A_741, %eq3A_742 : vector<81x4800xi32>
      %convert_element_type3A_744 = arith.extui %eq3A_743 : vector<81x4800xi1> to vector<81x4800xi32>
      %convert_element_type3A_745 = arith.sitofp %convert_element_type3A_744 : vector<81x4800xi32> to vector<81x4800xf32>
      %convert_element_type3A_746 = arith.truncf %get3A_732 : vector<4800x256xf32> to vector<4800x256xbf16>
      %convert_element_type3A_747 = arith.extf %convert_element_type3A_746 : vector<4800x256xbf16> to vector<4800x256xf32>
      %sub3A_748 = arith.subf %get3A_732, %convert_element_type3A_747 : vector<4800x256xf32>
      %convert_element_type3A_749 = arith.truncf %sub3A_748 : vector<4800x256xf32> to vector<4800x256xbf16>
      %convert_element_type3A_750 = arith.truncf %convert_element_type3A_745 : vector<81x4800xf32> to vector<81x4800xbf16>
      %dot_general3A_751 = arith.constant dense<0.000000e+00> : vector<81x256xf32>
      %dot_general3A_752 = tpu.matmul %convert_element_type3A_750, %convert_element_type3A_746, %dot_general3A_751 {dimension_numbers = #tpu.dot_dimension_numbers<[1], [0], [0], [1], [0, 0, 1, 1], [], []>, transpose_lhs_hint = false} : vector<81x4800xbf16>, vector<4800x256xbf16>, vector<81x256xf32> -> vector<81x256xf32>
      %dot_general3A_753 = arith.constant dense<0.000000e+00> : vector<81x256xf32>
      %dot_general3A_754 = tpu.matmul %convert_element_type3A_750, %convert_element_type3A_749, %dot_general3A_753 {dimension_numbers = #tpu.dot_dimension_numbers<[1], [0], [0], [1], [0, 0, 1, 1], [], []>, transpose_lhs_hint = false} : vector<81x4800xbf16>, vector<4800x256xbf16>, vector<81x256xf32> -> vector<81x256xf32>
      %add3A_755 = arith.addf %dot_general3A_752, %dot_general3A_754 : vector<81x256xf32>
      %reduce_sum3A_756 = arith.constant dense<0.000000e+00> : vector<81xf32>
      %reduce_sum3A_757 = vector.multi_reduction <add>, %convert_element_type3A_745, %reduce_sum3A_756 [1] : vector<81x4800xf32> to vector<81xf32>
      %broadcast_in_dim3A_758 = vector.shape_cast %reduce_sum3A_757 : vector<81xf32> to vector<81x1xf32>
      %max3A_759 = arith.constant 1.000000e+00 : f32
      %max3A_760 = vector.broadcast %max3A_759 : f32 to vector<81x1xf32>
      %max3A_761 = arith.maximumf %broadcast_in_dim3A_758, %max3A_760 : vector<81x1xf32>
      %div3A_762 = vector.broadcast %max3A_761 : vector<81x1xf32> to vector<81x256xf32>
      %div3A_763 = arith.divf %add3A_755, %div3A_762 : vector<81x256xf32>
      %mul3A_764 = arith.constant 0.899999976 : f32
      %mul3A_765 = vector.broadcast %mul3A_764 : f32 to vector<81x256xf32>
      %mul3A_766 = arith.mulf %mul3A_765, %get3A_740 : vector<81x256xf32>
      %mul3A_767 = arith.constant 1.000000e-01 : f32
      %mul3A_768 = vector.broadcast %mul3A_767 : f32 to vector<81x256xf32>
      %mul3A_769 = arith.mulf %mul3A_768, %div3A_763 : vector<81x256xf32>
      %add3A_770 = arith.addf %mul3A_766, %mul3A_769 : vector<81x256xf32>
      %mul3A_771 = arith.mulf %add3A_770, %add3A_770 : vector<81x256xf32>
      %reduce_sum3A_772 = arith.constant dense<0.000000e+00> : vector<81xf32>
      %reduce_sum3A_773 = vector.multi_reduction <add>, %mul3A_771, %reduce_sum3A_772 [1] : vector<81x256xf32> to vector<81xf32>
      %broadcast_in_dim3A_774 = vector.shape_cast %reduce_sum3A_773 : vector<81xf32> to vector<81x1xf32>
      %sqrt3A_775 = math.sqrt %broadcast_in_dim3A_774 : vector<81x1xf32>
      %max3A_776 = arith.constant 9.99999996E-13 : f32
      %max3A_777 = vector.broadcast %max3A_776 : f32 to vector<81x1xf32>
      %max3A_778 = arith.maximumf %sqrt3A_775, %max3A_777 : vector<81x1xf32>
      %div3A_779 = vector.broadcast %max3A_778 : vector<81x1xf32> to vector<81x256xf32>
      %div3A_780 = arith.divf %add3A_770, %div3A_779 : vector<81x256xf32>
      %gt3A_781 = arith.constant 0.000000e+00 : f32
      %gt3A_782 = vector.broadcast %gt3A_781 : f32 to vector<81x1xf32>
      %gt3A_783 = arith.cmpf ogt, %broadcast_in_dim3A_758, %gt3A_782 : vector<81x1xf32>
      %broadcast_in_dim3A_784 = vector.shape_cast %gt3A_783 : vector<81x1xi1> to vector<81x1xi1>
      %broadcast_in_dim3A_785 = vector.broadcast %broadcast_in_dim3A_784 : vector<81x1xi1> to vector<81x256xi1>
      %select_n3A_786 = arith.select %broadcast_in_dim3A_785, %div3A_780, %get3A_740 : vector<81x256xi1>, vector<81x256xf32>
      %swap3A_787 = arith.constant 0 : index
      %swap3A_788 = arith.constant 0 : index
      %swap3A_789 = vector.load %arg14[%swap3A_787, %swap3A_788] : memref<81x256xf32, #tpu.memory_space<vmem>>, vector<81x256xf32>
      tpu.vector_store %arg14[%swap3A_787, %swap3A_788], %select_n3A_786 {strides = array<i32>} : memref<81x256xf32, #tpu.memory_space<vmem>>, vector<81x256xf32>,
      %mul3A_790 = arith.mulf %select_n3A_786, %select_n3A_786 : vector<81x256xf32>
      %reduce_sum3A_791 = arith.constant dense<0.000000e+00> : vector<81xf32>
      %reduce_sum3A_792 = vector.multi_reduction <add>, %mul3A_790, %reduce_sum3A_791 [1] : vector<81x256xf32> to vector<81xf32>
      %broadcast_in_dim3A_793 = vector.shape_cast %reduce_sum3A_792 : vector<81xf32> to vector<81x1xf32>
      %sqrt3A_794 = math.sqrt %broadcast_in_dim3A_793 : vector<81x1xf32>
      %max3A_795 = arith.constant 9.99999996E-13 : f32
      %max3A_796 = vector.broadcast %max3A_795 : f32 to vector<81x1xf32>
      %max3A_797 = arith.maximumf %sqrt3A_794, %max3A_796 : vector<81x1xf32>
      %div3A_798 = vector.broadcast %max3A_797 : vector<81x1xf32> to vector<81x256xf32>
      %div3A_799 = arith.divf %select_n3A_786, %div3A_798 : vector<81x256xf32>
      %swap3A_800 = arith.constant 0 : index
      %swap3A_801 = arith.constant 0 : index
      %swap3A_802 = vector.load %arg15[%swap3A_800, %swap3A_801] : memref<81x256xf32, #tpu.memory_space<vmem>>, vector<81x256xf32>
      tpu.vector_store %arg15[%swap3A_800, %swap3A_801], %div3A_799 {strides = array<i32>} : memref<81x256xf32, #tpu.memory_space<vmem>>, vector<81x256xf32>,
      %dot_general3A_803 = arith.constant dense<0.000000e+00> : vector<81x81xf32>
      %dot_general3A_804 = tpu.matmul %div3A_799, %div3A_799, %dot_general3A_803 {dimension_numbers = #tpu.dot_dimension_numbers<[1], [1], [0], [0], [0, 0, 1, 0], [], []>, precision = #tpu.contract_precision<fp32>, transpose_lhs_hint = false} : vector<81x256xf32>, vector<81x256xf32>, vector<81x81xf32> -> vector<81x81xf32>
      %div3A_805 = arith.constant 1.000000e-01 : f32
      %div3A_806 = vector.broadcast %div3A_805 : f32 to vector<81x81xf32>
      %div3A_807 = arith.divf %dot_general3A_804, %div3A_806 : vector<81x81xf32>
      %exp3A_808 = math.exp %div3A_807 : vector<81x81xf32>
      %iota3A_809 = tpu.iota {dimensions = array<i32: 0>} : vector<81x81xi32>
      %iota3A_810 = tpu.iota {dimensions = array<i32: 1>} : vector<81x81xi32>
      %eq3A_811 = arith.cmpi eq, %iota3A_809, %iota3A_810 : vector<81x81xi32>
      %reduce_sum3A_812 = arith.constant dense<0.000000e+00> : vector<81xf32>
      %reduce_sum3A_813 = vector.multi_reduction <add>, %exp3A_808, %reduce_sum3A_812 [1] : vector<81x81xf32> to vector<81xf32>
      %broadcast_in_dim3A_814 = vector.shape_cast %reduce_sum3A_813 : vector<81xf32> to vector<81x1xf32>
      %jit3A_815 = arith.constant 0.000000e+00 : f32
      %broadcast_in_dim3A_816 = vector.broadcast %jit3A_815 : f32 to vector<81x81xf32>
      %select_n3A_817 = arith.select %eq3A_811, %exp3A_808, %broadcast_in_dim3A_816 : vector<81x81xi1>, vector<81x81xf32>
      %reduce_sum3A_818 = arith.constant dense<0.000000e+00> : vector<81xf32>
      %reduce_sum3A_819 = vector.multi_reduction <add>, %select_n3A_817, %reduce_sum3A_818 [1] : vector<81x81xf32> to vector<81xf32>
      %broadcast_in_dim3A_820 = vector.shape_cast %reduce_sum3A_819 : vector<81xf32> to vector<81x1xf32>
      %sub3A_821 = arith.subf %broadcast_in_dim3A_814, %broadcast_in_dim3A_820 : vector<81x1xf32>
      %swap3A_822 = arith.constant 0 : index
      %swap3A_823 = arith.constant 0 : index
      %swap3A_824 = vector.load %arg16[%swap3A_822, %swap3A_823] : memref<81x1xf32, #tpu.memory_space<vmem>>, vector<81x1xf32>
      tpu.vector_store %arg16[%swap3A_822, %swap3A_823], %sub3A_821 {strides = array<i32>} : memref<81x1xf32, #tpu.memory_space<vmem>>, vector<81x1xf32>,
      %broadcast_in_dim3A_825 = arith.constant 0.000000e+00 : f32
      %broadcast_in_dim3A_826 = vector.broadcast %broadcast_in_dim3A_825 : f32 to vector<1x1xf32>
      %swap3A_827 = arith.constant 0 : index
      %swap3A_828 = arith.constant 0 : index
      %swap3A_829 = vector.load %arg17[%swap3A_827, %swap3A_828] : memref<1x1xf32, #tpu.memory_space<vmem>>, vector<1x1xf32>
      tpu.vector_store %arg17[%swap3A_827, %swap3A_828], %broadcast_in_dim3A_826 {strides = array<i32>} : memref<1x1xf32, #tpu.memory_space<vmem>>, vector<1x1xf32>,
      %broadcast_in_dim3A_830 = arith.constant 0.000000e+00 : f32
      %broadcast_in_dim3A_831 = vector.broadcast %broadcast_in_dim3A_830 : f32 to vector<1x1xf32>
      %swap3A_832 = arith.constant 0 : index
      %swap3A_833 = arith.constant 0 : index
      %swap3A_834 = vector.load %arg18[%swap3A_832, %swap3A_833] : memref<1x1xf32, #tpu.memory_space<vmem>>, vector<1x1xf32>
      tpu.vector_store %arg18[%swap3A_832, %swap3A_833], %broadcast_in_dim3A_831 {strides = array<i32>} : memref<1x1xf32, #tpu.memory_space<vmem>>, vector<1x1xf32>,
      %broadcast_in_dim3A_835 = arith.constant 0.000000e+00 : f32
      %broadcast_in_dim3A_836 = vector.broadcast %broadcast_in_dim3A_835 : f32 to vector<81x1xf32>
      %swap3A_837 = arith.constant 0 : index
      %swap3A_838 = arith.constant 0 : index
      %swap3A_839 = vector.load %arg19[%swap3A_837, %swap3A_838] : memref<81x1xf32, #tpu.memory_space<vmem>>, vector<81x1xf32>
      tpu.vector_store %arg19[%swap3A_837, %swap3A_838], %broadcast_in_dim3A_836 {strides = array<i32>} : memref<81x1xf32, #tpu.memory_space<vmem>>, vector<81x1xf32>,
      %broadcast_in_dim3A_840 = arith.constant 0.000000e+00 : f32
      %broadcast_in_dim3A_841 = vector.broadcast %broadcast_in_dim3A_840 : f32 to vector<81x1xf32>
      %swap3A_842 = arith.constant 0 : index
      %swap3A_843 = arith.constant 0 : index
      %swap3A_844 = vector.load %arg20[%swap3A_842, %swap3A_843] : memref<81x1xf32, #tpu.memory_space<vmem>>, vector<81x1xf32>
      tpu.vector_store %arg20[%swap3A_842, %swap3A_843], %broadcast_in_dim3A_841 {strides = array<i32>} : memref<81x1xf32, #tpu.memory_space<vmem>>, vector<81x1xf32>,
    } else {
    }
    %get3A_27 = arith.constant 0 : index
    %get3A_28 = arith.constant 0 : index
    %get3A_29 = vector.load %arg14[%get3A_27, %get3A_28] : memref<81x256xf32, #tpu.memory_space<vmem>>, vector<81x256xf32>
    %get3A_30 = arith.constant 0 : index
    %get3A_31 = arith.constant 0 : index
    %get3A_32 = vector.load %arg15[%get3A_30, %get3A_31] : memref<81x256xf32, #tpu.memory_space<vmem>>, vector<81x256xf32>
    %mul3A = arith.mulf %get3A_3, %get3A_3 : vector<300x256xf32>
    %reduce_sum3A = arith.constant dense<0.000000e+00> : vector<300xf32>
    %reduce_sum3A_33 = vector.multi_reduction <add>, %mul3A, %reduce_sum3A [1] : vector<300x256xf32> to vector<300xf32>
    %broadcast_in_dim3A = vector.shape_cast %reduce_sum3A_33 : vector<300xf32> to vector<300x1xf32>
    %sqrt3A = math.sqrt %broadcast_in_dim3A : vector<300x1xf32>
    %max3A = arith.constant 9.99999996E-13 : f32
    %max3A_34 = vector.broadcast %max3A : f32 to vector<300x1xf32>
    %max3A_35 = arith.maximumf %sqrt3A, %max3A_34 : vector<300x1xf32>
    %div3A = vector.broadcast %max3A_35 : vector<300x1xf32> to vector<300x256xf32>
    %div3A_36 = arith.divf %get3A_3, %div3A : vector<300x256xf32>
    %convert_element_type3A_37 = arith.truncf %div3A_36 : vector<300x256xf32> to vector<300x256xbf16>
    %convert_element_type3A_38 = arith.extf %convert_element_type3A_37 : vector<300x256xbf16> to vector<300x256xf32>
    %sub3A = arith.subf %div3A_36, %convert_element_type3A_38 : vector<300x256xf32>
    %convert_element_type3A_39 = arith.truncf %sub3A : vector<300x256xf32> to vector<300x256xbf16>
    %iota3A = tpu.iota {dimensions = array<i32: 1>} : vector<300x81xi32>
    %eq3A_40 = vector.broadcast %get3A_18 : vector<300x1xi32> to vector<300x81xi32>
    %eq3A_41 = arith.cmpi eq, %iota3A, %eq3A_40 : vector<300x81xi32>
    %convert_element_type3A_42 = arith.extui %eq3A_41 : vector<300x81xi1> to vector<300x81xi32>
    %convert_element_type3A_43 = arith.sitofp %convert_element_type3A_42 : vector<300x81xi32> to vector<300x81xf32>
    %dot_general3A = arith.constant dense<0.000000e+00> : vector<300x256xf32>
    %dot_general3A_44 = tpu.matmul %convert_element_type3A_43, %get3A_29, %dot_general3A {dimension_numbers = #tpu.dot_dimension_numbers<[1], [0], [0], [1], [0, 0, 1, 1], [], []>, precision = #tpu.contract_precision<fp32>, transpose_lhs_hint = false} : vector<300x81xf32>, vector<81x256xf32>, vector<300x256xf32> -> vector<300x256xf32>
    %sub3A_45 = arith.subf %get3A_3, %dot_general3A_44 : vector<300x256xf32>
    %mul3A_46 = arith.mulf %sub3A_45, %sub3A_45 : vector<300x256xf32>
    %reduce_sum3A_47 = arith.constant dense<0.000000e+00> : vector<300xf32>
    %reduce_sum3A_48 = vector.multi_reduction <add>, %mul3A_46, %reduce_sum3A_47 [1] : vector<300x256xf32> to vector<300xf32>
    %broadcast_in_dim3A_49 = vector.shape_cast %reduce_sum3A_48 : vector<300xf32> to vector<300x1xf32>
    %gt3A = arith.constant 0.000000e+00 : f32
    %gt3A_50 = vector.broadcast %gt3A : f32 to vector<300x81xf32>
    %gt3A_51 = arith.cmpf ogt, %convert_element_type3A_43, %gt3A_50 : vector<300x81xf32>
    %jit3A = arith.constant -1.000000e+00 : f32
    %broadcast_in_dim3A_52 = vector.shape_cast %broadcast_in_dim3A_49 : vector<300x1xf32> to vector<300x1xf32>
    %broadcast_in_dim3A_53 = vector.broadcast %broadcast_in_dim3A_52 : vector<300x1xf32> to vector<300x81xf32>
    %broadcast_in_dim3A_54 = vector.broadcast %jit3A : f32 to vector<300x81xf32>
    %select_n3A = arith.select %gt3A_51, %broadcast_in_dim3A_53, %broadcast_in_dim3A_54 : vector<300x81xi1>, vector<300x81xf32>
    %reduce_max3A = arith.constant dense<0xFF800000> : vector<81xf32>
    %reduce_max3A_55 = vector.multi_reduction <maximumf>, %select_n3A, %reduce_max3A [0] : vector<300x81xf32> to vector<81xf32>
    %broadcast_in_dim3A_56 = vector.shape_cast %reduce_max3A_55 : vector<81xf32> to vector<1x81xf32>
    %lt3A = vector.broadcast %broadcast_in_dim3A_56 : vector<1x81xf32> to vector<300x81xf32>
    %lt3A_57 = arith.cmpf olt, %select_n3A, %lt3A : vector<300x81xf32>
    %jit3A_58 = arith.constant -1.000000e+00 : f32
    %broadcast_in_dim3A_59 = vector.broadcast %jit3A_58 : f32 to vector<300x81xf32>
    %select_n3A_60 = arith.select %lt3A_57, %select_n3A, %broadcast_in_dim3A_59 : vector<300x81xi1>, vector<300x81xf32>
    %reduce_max3A_61 = arith.constant dense<0xFF800000> : vector<81xf32>
    %reduce_max3A_62 = vector.multi_reduction <maximumf>, %select_n3A_60, %reduce_max3A_61 [0] : vector<300x81xf32> to vector<81xf32>
    %broadcast_in_dim3A_63 = vector.shape_cast %reduce_max3A_62 : vector<81xf32> to vector<1x81xf32>
    %lt3A_64 = vector.broadcast %broadcast_in_dim3A_63 : vector<1x81xf32> to vector<300x81xf32>
    %lt3A_65 = arith.cmpf olt, %select_n3A, %lt3A_64 : vector<300x81xf32>
    %jit3A_66 = arith.constant -1.000000e+00 : f32
    %broadcast_in_dim3A_67 = vector.broadcast %jit3A_66 : f32 to vector<300x81xf32>
    %select_n3A_68 = arith.select %lt3A_65, %select_n3A, %broadcast_in_dim3A_67 : vector<300x81xi1>, vector<300x81xf32>
    %reduce_max3A_69 = arith.constant dense<0xFF800000> : vector<81xf32>
    %reduce_max3A_70 = vector.multi_reduction <maximumf>, %select_n3A_68, %reduce_max3A_69 [0] : vector<300x81xf32> to vector<81xf32>
    %broadcast_in_dim3A_71 = vector.shape_cast %reduce_max3A_70 : vector<81xf32> to vector<1x81xf32>
    %lt3A_72 = vector.broadcast %broadcast_in_dim3A_71 : vector<1x81xf32> to vector<300x81xf32>
    %lt3A_73 = arith.cmpf olt, %select_n3A, %lt3A_72 : vector<300x81xf32>
    %jit3A_74 = arith.constant -1.000000e+00 : f32
    %broadcast_in_dim3A_75 = vector.broadcast %jit3A_74 : f32 to vector<300x81xf32>
    %select_n3A_76 = arith.select %lt3A_73, %select_n3A, %broadcast_in_dim3A_75 : vector<300x81xi1>, vector<300x81xf32>
    %reduce_max3A_77 = arith.constant dense<0xFF800000> : vector<81xf32>
    %reduce_max3A_78 = vector.multi_reduction <maximumf>, %select_n3A_76, %reduce_max3A_77 [0] : vector<300x81xf32> to vector<81xf32>
    %broadcast_in_dim3A_79 = vector.shape_cast %reduce_max3A_78 : vector<81xf32> to vector<1x81xf32>
    %lt3A_80 = vector.broadcast %broadcast_in_dim3A_79 : vector<1x81xf32> to vector<300x81xf32>
    %lt3A_81 = arith.cmpf olt, %select_n3A, %lt3A_80 : vector<300x81xf32>
    %jit3A_82 = arith.constant -1.000000e+00 : f32
    %broadcast_in_dim3A_83 = vector.broadcast %jit3A_82 : f32 to vector<300x81xf32>
    %select_n3A_84 = arith.select %lt3A_81, %select_n3A, %broadcast_in_dim3A_83 : vector<300x81xi1>, vector<300x81xf32>
    %reduce_max3A_85 = arith.constant dense<0xFF800000> : vector<81xf32>
    %reduce_max3A_86 = vector.multi_reduction <maximumf>, %select_n3A_84, %reduce_max3A_85 [0] : vector<300x81xf32> to vector<81xf32>
    %broadcast_in_dim3A_87 = vector.shape_cast %reduce_max3A_86 : vector<81xf32> to vector<1x81xf32>
    %mul3A_88 = vector.broadcast %broadcast_in_dim3A_87 : vector<1x81xf32> to vector<300x81xf32>
    %mul3A_89 = arith.mulf %convert_element_type3A_43, %mul3A_88 : vector<300x81xf32>
    %reduce_sum3A_90 = arith.constant dense<0.000000e+00> : vector<300xf32>
    %reduce_sum3A_91 = vector.multi_reduction <add>, %mul3A_89, %reduce_sum3A_90 [1] : vector<300x81xf32> to vector<300xf32>
    %broadcast_in_dim3A_92 = vector.shape_cast %reduce_sum3A_91 : vector<300xf32> to vector<300x1xf32>
    %ge3A = arith.cmpf oge, %broadcast_in_dim3A_49, %broadcast_in_dim3A_92 : vector<300x1xf32>
    %get3A_93 = arith.constant 0 : index
    %get3A_94 = arith.constant 0 : index
    %get3A_95 = arith.constant 0 : index
    %get3A_96 = vector.load %arg1[%get3A_93, %get3A_94, %get3A_95] : memref<1x3000x256xf32, #tpu.memory_space<vmem>>, vector<1x750x256xf32>
    %get3A_97 = vector.shape_cast %get3A_96 : vector<1x750x256xf32> to vector<750x256xf32>
    %mul3A_98 = arith.mulf %get3A_97, %get3A_97 : vector<750x256xf32>
    %reduce_sum3A_99 = arith.constant dense<0.000000e+00> : vector<750xf32>
    %reduce_sum3A_100 = vector.multi_reduction <add>, %mul3A_98, %reduce_sum3A_99 [1] : vector<750x256xf32> to vector<750xf32>
    %broadcast_in_dim3A_101 = vector.shape_cast %reduce_sum3A_100 : vector<750xf32> to vector<750x1xf32>
    %sqrt3A_102 = math.sqrt %broadcast_in_dim3A_101 : vector<750x1xf32>
    %max3A_103 = arith.constant 9.99999996E-13 : f32
    %max3A_104 = vector.broadcast %max3A_103 : f32 to vector<750x1xf32>
    %max3A_105 = arith.maximumf %sqrt3A_102, %max3A_104 : vector<750x1xf32>
    %div3A_106 = vector.broadcast %max3A_105 : vector<750x1xf32> to vector<750x256xf32>
    %div3A_107 = arith.divf %get3A_97, %div3A_106 : vector<750x256xf32>
    %convert_element_type3A_108 = arith.truncf %div3A_107 : vector<750x256xf32> to vector<750x256xbf16>
    %convert_element_type3A_109 = arith.extf %convert_element_type3A_108 : vector<750x256xbf16> to vector<750x256xf32>
    %sub3A_110 = arith.subf %div3A_107, %convert_element_type3A_109 : vector<750x256xf32>
    %convert_element_type3A_111 = arith.truncf %sub3A_110 : vector<750x256xf32> to vector<750x256xbf16>
    %dot_general3A_112 = arith.constant dense<0.000000e+00> : vector<750x300xf32>
    %dot_general3A_113 = tpu.matmul %convert_element_type3A_108, %convert_element_type3A_37, %dot_general3A_112 {dimension_numbers = #tpu.dot_dimension_numbers<[1], [1], [0], [0], [0, 0, 1, 0], [], []>, transpose_lhs_hint = false} : vector<750x256xbf16>, vector<300x256xbf16>, vector<750x300xf32> -> vector<750x300xf32>
    %dot_general3A_114 = arith.constant dense<0.000000e+00> : vector<750x300xf32>
    %dot_general3A_115 = tpu.matmul %convert_element_type3A_108, %convert_element_type3A_39, %dot_general3A_114 {dimension_numbers = #tpu.dot_dimension_numbers<[1], [1], [0], [0], [0, 0, 1, 0], [], []>, transpose_lhs_hint = false} : vector<750x256xbf16>, vector<300x256xbf16>, vector<750x300xf32> -> vector<750x300xf32>
    %add3A = arith.addf %dot_general3A_113, %dot_general3A_115 : vector<750x300xf32>
    %dot_general3A_116 = arith.constant dense<0.000000e+00> : vector<750x300xf32>
    %dot_general3A_117 = tpu.matmul %convert_element_type3A_111, %convert_element_type3A_37, %dot_general3A_116 {dimension_numbers = #tpu.dot_dimension_numbers<[1], [1], [0], [0], [0, 0, 1, 0], [], []>, transpose_lhs_hint = false} : vector<750x256xbf16>, vector<300x256xbf16>, vector<750x300xf32> -> vector<750x300xf32>
    %add3A_118 = arith.addf %add3A, %dot_general3A_117 : vector<750x300xf32>
    %iota3A_119 = tpu.iota {dimensions = array<i32: 0>} : vector<750x300xi32>
    %sub3A_120 = arith.constant 0 : i32
    %sub3A_121 = vector.broadcast %sub3A_120 : i32 to vector<1x300xi32>
    %sub3A_122 = arith.subi %get3A_8, %sub3A_121 : vector<1x300xi32>
    %eq3A_123 = vector.broadcast %sub3A_122 : vector<1x300xi32> to vector<750x300xi32>
    %eq3A_124 = arith.cmpi eq, %iota3A_119, %eq3A_123 : vector<750x300xi32>
    %reduce_or3A = arith.constant 1.000000e+00 : f32
    %reduce_or3A_125 = arith.constant 0.000000e+00 : f32
    %reduce_or3A_126 = vector.broadcast %reduce_or3A : f32 to vector<750x300xf32>
    %reduce_or3A_127 = vector.broadcast %reduce_or3A_125 : f32 to vector<750x300xf32>
    %reduce_or3A_128 = arith.select %eq3A_124, %reduce_or3A_126, %reduce_or3A_127 : vector<750x300xi1>, vector<750x300xf32>
    %reduce_or3A_129 = arith.constant dense<0xFF800000> : vector<750xf32>
    %reduce_or3A_130 = vector.multi_reduction <maximumf>, %reduce_or3A_128, %reduce_or3A_129 [1] : vector<750x300xf32> to vector<750xf32>
    %reduce_or3A_131 = arith.constant 0.000000e+00 : f32
    %reduce_or3A_132 = vector.broadcast %reduce_or3A_131 : f32 to vector<750xf32>
    %reduce_or3A_133 = arith.cmpf ogt, %reduce_or3A_130, %reduce_or3A_132 : vector<750xf32>
    %broadcast_in_dim3A_134 = vector.shape_cast %reduce_or3A_133 : vector<750xi1> to vector<750x1xi1>
    %jit3A_135 = arith.constant -4.000000e+00 : f32
    %broadcast_in_dim3A_136 = vector.shape_cast %broadcast_in_dim3A_134 : vector<750x1xi1> to vector<750x1xi1>
    %broadcast_in_dim3A_137 = vector.broadcast %broadcast_in_dim3A_136 : vector<750x1xi1> to vector<750x300xi1>
    %broadcast_in_dim3A_138 = vector.broadcast %jit3A_135 : f32 to vector<750x300xf32>
    %select_n3A_139 = arith.select %broadcast_in_dim3A_137, %broadcast_in_dim3A_138, %add3A_118 : vector<750x300xi1>, vector<750x300xf32>
    %swap3A = arith.constant 0 : index
    %swap3A_140 = arith.constant 0 : index
    %swap3A_141 = vector.load %arg22[%swap3A, %swap3A_140] : memref<3000x300xf32, #tpu.memory_space<vmem>>, vector<750x300xf32>
    tpu.vector_store %arg22[%swap3A, %swap3A_140], %select_n3A_139 {strides = array<i32>} : memref<3000x300xf32, #tpu.memory_space<vmem>>, vector<750x300xf32>,
    %reduce_max3A_142 = arith.constant dense<0xFF800000> : vector<300xf32>
    %reduce_max3A_143 = vector.multi_reduction <maximumf>, %select_n3A_139, %reduce_max3A_142 [0] : vector<750x300xf32> to vector<300xf32>
    %broadcast_in_dim3A_144 = vector.shape_cast %reduce_max3A_143 : vector<300xf32> to vector<1x300xf32>
    %lt3A_145 = vector.broadcast %broadcast_in_dim3A_144 : vector<1x300xf32> to vector<750x300xf32>
    %lt3A_146 = arith.cmpf olt, %select_n3A_139, %lt3A_145 : vector<750x300xf32>
    %jit3A_147 = arith.constant -4.000000e+00 : f32
    %broadcast_in_dim3A_148 = vector.broadcast %jit3A_147 : f32 to vector<750x300xf32>
    %select_n3A_149 = arith.select %lt3A_146, %select_n3A_139, %broadcast_in_dim3A_148 : vector<750x300xi1>, vector<750x300xf32>
    %reduce_max3A_150 = arith.constant dense<0xFF800000> : vector<300xf32>
    %reduce_max3A_151 = vector.multi_reduction <maximumf>, %select_n3A_149, %reduce_max3A_150 [0] : vector<750x300xf32> to vector<300xf32>
    %broadcast_in_dim3A_152 = vector.shape_cast %reduce_max3A_151 : vector<300xf32> to vector<1x300xf32>
    %lt3A_153 = vector.broadcast %broadcast_in_dim3A_152 : vector<1x300xf32> to vector<750x300xf32>
    %lt3A_154 = arith.cmpf olt, %select_n3A_139, %lt3A_153 : vector<750x300xf32>
    %jit3A_155 = arith.constant -4.000000e+00 : f32
    %broadcast_in_dim3A_156 = vector.broadcast %jit3A_155 : f32 to vector<750x300xf32>
    %select_n3A_157 = arith.select %lt3A_154, %select_n3A_139, %broadcast_in_dim3A_156 : vector<750x300xi1>, vector<750x300xf32>
    %reduce_max3A_158 = arith.constant dense<0xFF800000> : vector<300xf32>
    %reduce_max3A_159 = vector.multi_reduction <maximumf>, %select_n3A_157, %reduce_max3A_158 [0] : vector<750x300xf32> to vector<300xf32>
    %broadcast_in_dim3A_160 = vector.shape_cast %reduce_max3A_159 : vector<300xf32> to vector<1x300xf32>
    %lt3A_161 = vector.broadcast %broadcast_in_dim3A_160 : vector<1x300xf32> to vector<750x300xf32>
    %lt3A_162 = arith.cmpf olt, %select_n3A_139, %lt3A_161 : vector<750x300xf32>
    %jit3A_163 = arith.constant -4.000000e+00 : f32
    %broadcast_in_dim3A_164 = vector.broadcast %jit3A_163 : f32 to vector<750x300xf32>
    %select_n3A_165 = arith.select %lt3A_162, %select_n3A_139, %broadcast_in_dim3A_164 : vector<750x300xi1>, vector<750x300xf32>
    %reduce_max3A_166 = arith.constant dense<0xFF800000> : vector<300xf32>
    %reduce_max3A_167 = vector.multi_reduction <maximumf>, %select_n3A_165, %reduce_max3A_166 [0] : vector<750x300xf32> to vector<300xf32>
    %broadcast_in_dim3A_168 = vector.shape_cast %reduce_max3A_167 : vector<300xf32> to vector<1x300xf32>
    %lt3A_169 = vector.broadcast %broadcast_in_dim3A_168 : vector<1x300xf32> to vector<750x300xf32>
    %lt3A_170 = arith.cmpf olt, %select_n3A_139, %lt3A_169 : vector<750x300xf32>
    %jit3A_171 = arith.constant -4.000000e+00 : f32
    %broadcast_in_dim3A_172 = vector.broadcast %jit3A_171 : f32 to vector<750x300xf32>
    %select_n3A_173 = arith.select %lt3A_170, %select_n3A_139, %broadcast_in_dim3A_172 : vector<750x300xi1>, vector<750x300xf32>
    %reduce_max3A_174 = arith.constant dense<0xFF800000> : vector<300xf32>
    %reduce_max3A_175 = vector.multi_reduction <maximumf>, %select_n3A_173, %reduce_max3A_174 [0] : vector<750x300xf32> to vector<300xf32>
    %broadcast_in_dim3A_176 = vector.shape_cast %reduce_max3A_175 : vector<300xf32> to vector<1x300xf32>
    %get3A_177 = arith.constant 0 : index
    %get3A_178 = arith.constant 750 : index
    %get3A_179 = arith.constant 0 : index
    %get3A_180 = vector.load %arg1[%get3A_177, %get3A_178, %get3A_179] : memref<1x3000x256xf32, #tpu.memory_space<vmem>>, vector<1x750x256xf32>
    %get3A_181 = vector.shape_cast %get3A_180 : vector<1x750x256xf32> to vector<750x256xf32>
    %mul3A_182 = arith.mulf %get3A_181, %get3A_181 : vector<750x256xf32>
    %reduce_sum3A_183 = arith.constant dense<0.000000e+00> : vector<750xf32>
    %reduce_sum3A_184 = vector.multi_reduction <add>, %mul3A_182, %reduce_sum3A_183 [1] : vector<750x256xf32> to vector<750xf32>
    %broadcast_in_dim3A_185 = vector.shape_cast %reduce_sum3A_184 : vector<750xf32> to vector<750x1xf32>
    %sqrt3A_186 = math.sqrt %broadcast_in_dim3A_185 : vector<750x1xf32>
    %max3A_187 = arith.constant 9.99999996E-13 : f32
    %max3A_188 = vector.broadcast %max3A_187 : f32 to vector<750x1xf32>
    %max3A_189 = arith.maximumf %sqrt3A_186, %max3A_188 : vector<750x1xf32>
    %div3A_190 = vector.broadcast %max3A_189 : vector<750x1xf32> to vector<750x256xf32>
    %div3A_191 = arith.divf %get3A_181, %div3A_190 : vector<750x256xf32>
    %convert_element_type3A_192 = arith.truncf %div3A_191 : vector<750x256xf32> to vector<750x256xbf16>
    %convert_element_type3A_193 = arith.extf %convert_element_type3A_192 : vector<750x256xbf16> to vector<750x256xf32>
    %sub3A_194 = arith.subf %div3A_191, %convert_element_type3A_193 : vector<750x256xf32>
    %convert_element_type3A_195 = arith.truncf %sub3A_194 : vector<750x256xf32> to vector<750x256xbf16>
    %dot_general3A_196 = arith.constant dense<0.000000e+00> : vector<750x300xf32>
    %dot_general3A_197 = tpu.matmul %convert_element_type3A_192, %convert_element_type3A_37, %dot_general3A_196 {dimension_numbers = #tpu.dot_dimension_numbers<[1], [1], [0], [0], [0, 0, 1, 0], [], []>, transpose_lhs_hint = false} : vector<750x256xbf16>, vector<300x256xbf16>, vector<750x300xf32> -> vector<750x300xf32>
    %dot_general3A_198 = arith.constant dense<0.000000e+00> : vector<750x300xf32>
    %dot_general3A_199 = tpu.matmul %convert_element_type3A_192, %convert_element_type3A_39, %dot_general3A_198 {dimension_numbers = #tpu.dot_dimension_numbers<[1], [1], [0], [0], [0, 0, 1, 0], [], []>, transpose_lhs_hint = false} : vector<750x256xbf16>, vector<300x256xbf16>, vector<750x300xf32> -> vector<750x300xf32>
    %add3A_200 = arith.addf %dot_general3A_197, %dot_general3A_199 : vector<750x300xf32>
    %dot_general3A_201 = arith.constant dense<0.000000e+00> : vector<750x300xf32>
    %dot_general3A_202 = tpu.matmul %convert_element_type3A_195, %convert_element_type3A_37, %dot_general3A_201 {dimension_numbers = #tpu.dot_dimension_numbers<[1], [1], [0], [0], [0, 0, 1, 0], [], []>, transpose_lhs_hint = false} : vector<750x256xbf16>, vector<300x256xbf16>, vector<750x300xf32> -> vector<750x300xf32>
    %add3A_203 = arith.addf %add3A_200, %dot_general3A_202 : vector<750x300xf32>
    %iota3A_204 = tpu.iota {dimensions = array<i32: 0>} : vector<750x300xi32>
    %sub3A_205 = arith.constant 750 : i32
    %sub3A_206 = vector.broadcast %sub3A_205 : i32 to vector<1x300xi32>
    %sub3A_207 = arith.subi %get3A_8, %sub3A_206 : vector<1x300xi32>
    %eq3A_208 = vector.broadcast %sub3A_207 : vector<1x300xi32> to vector<750x300xi32>
    %eq3A_209 = arith.cmpi eq, %iota3A_204, %eq3A_208 : vector<750x300xi32>
    %reduce_or3A_210 = arith.constant 1.000000e+00 : f32
    %reduce_or3A_211 = arith.constant 0.000000e+00 : f32
    %reduce_or3A_212 = vector.broadcast %reduce_or3A_210 : f32 to vector<750x300xf32>
    %reduce_or3A_213 = vector.broadcast %reduce_or3A_211 : f32 to vector<750x300xf32>
    %reduce_or3A_214 = arith.select %eq3A_209, %reduce_or3A_212, %reduce_or3A_213 : vector<750x300xi1>, vector<750x300xf32>
    %reduce_or3A_215 = arith.constant dense<0xFF800000> : vector<750xf32>
    %reduce_or3A_216 = vector.multi_reduction <maximumf>, %reduce_or3A_214, %reduce_or3A_215 [1] : vector<750x300xf32> to vector<750xf32>
    %reduce_or3A_217 = arith.constant 0.000000e+00 : f32
    %reduce_or3A_218 = vector.broadcast %reduce_or3A_217 : f32 to vector<750xf32>
    %reduce_or3A_219 = arith.cmpf ogt, %reduce_or3A_216, %reduce_or3A_218 : vector<750xf32>
    %broadcast_in_dim3A_220 = vector.shape_cast %reduce_or3A_219 : vector<750xi1> to vector<750x1xi1>
    %jit3A_221 = arith.constant -4.000000e+00 : f32
    %broadcast_in_dim3A_222 = vector.shape_cast %broadcast_in_dim3A_220 : vector<750x1xi1> to vector<750x1xi1>
    %broadcast_in_dim3A_223 = vector.broadcast %broadcast_in_dim3A_222 : vector<750x1xi1> to vector<750x300xi1>
    %broadcast_in_dim3A_224 = vector.broadcast %jit3A_221 : f32 to vector<750x300xf32>
    %select_n3A_225 = arith.select %broadcast_in_dim3A_223, %broadcast_in_dim3A_224, %add3A_203 : vector<750x300xi1>, vector<750x300xf32>
    %swap3A_226 = arith.constant 750 : index
    %swap3A_227 = arith.constant 0 : index
    %swap3A_228 = vector.load %arg22[%swap3A_226, %swap3A_227] : memref<3000x300xf32, #tpu.memory_space<vmem>>, vector<750x300xf32>
    tpu.vector_store %arg22[%swap3A_226, %swap3A_227], %select_n3A_225 {strides = array<i32>} : memref<3000x300xf32, #tpu.memory_space<vmem>>, vector<750x300xf32>,
    %reduce_max3A_229 = arith.constant dense<0xFF800000> : vector<300xf32>
    %reduce_max3A_230 = vector.multi_reduction <maximumf>, %select_n3A_225, %reduce_max3A_229 [0] : vector<750x300xf32> to vector<300xf32>
    %broadcast_in_dim3A_231 = vector.shape_cast %reduce_max3A_230 : vector<300xf32> to vector<1x300xf32>
    %lt3A_232 = vector.broadcast %broadcast_in_dim3A_231 : vector<1x300xf32> to vector<750x300xf32>
    %lt3A_233 = arith.cmpf olt, %select_n3A_225, %lt3A_232 : vector<750x300xf32>
    %jit3A_234 = arith.constant -4.000000e+00 : f32
    %broadcast_in_dim3A_235 = vector.broadcast %jit3A_234 : f32 to vector<750x300xf32>
    %select_n3A_236 = arith.select %lt3A_233, %select_n3A_225, %broadcast_in_dim3A_235 : vector<750x300xi1>, vector<750x300xf32>
    %reduce_max3A_237 = arith.constant dense<0xFF800000> : vector<300xf32>
    %reduce_max3A_238 = vector.multi_reduction <maximumf>, %select_n3A_236, %reduce_max3A_237 [0] : vector<750x300xf32> to vector<300xf32>
    %broadcast_in_dim3A_239 = vector.shape_cast %reduce_max3A_238 : vector<300xf32> to vector<1x300xf32>
    %lt3A_240 = vector.broadcast %broadcast_in_dim3A_239 : vector<1x300xf32> to vector<750x300xf32>
    %lt3A_241 = arith.cmpf olt, %select_n3A_225, %lt3A_240 : vector<750x300xf32>
    %jit3A_242 = arith.constant -4.000000e+00 : f32
    %broadcast_in_dim3A_243 = vector.broadcast %jit3A_242 : f32 to vector<750x300xf32>
    %select_n3A_244 = arith.select %lt3A_241, %select_n3A_225, %broadcast_in_dim3A_243 : vector<750x300xi1>, vector<750x300xf32>
    %reduce_max3A_245 = arith.constant dense<0xFF800000> : vector<300xf32>
    %reduce_max3A_246 = vector.multi_reduction <maximumf>, %select_n3A_244, %reduce_max3A_245 [0] : vector<750x300xf32> to vector<300xf32>
    %broadcast_in_dim3A_247 = vector.shape_cast %reduce_max3A_246 : vector<300xf32> to vector<1x300xf32>
    %lt3A_248 = vector.broadcast %broadcast_in_dim3A_247 : vector<1x300xf32> to vector<750x300xf32>
    %lt3A_249 = arith.cmpf olt, %select_n3A_225, %lt3A_248 : vector<750x300xf32>
    %jit3A_250 = arith.constant -4.000000e+00 : f32
    %broadcast_in_dim3A_251 = vector.broadcast %jit3A_250 : f32 to vector<750x300xf32>
    %select_n3A_252 = arith.select %lt3A_249, %select_n3A_225, %broadcast_in_dim3A_251 : vector<750x300xi1>, vector<750x300xf32>
    %reduce_max3A_253 = arith.constant dense<0xFF800000> : vector<300xf32>
    %reduce_max3A_254 = vector.multi_reduction <maximumf>, %select_n3A_252, %reduce_max3A_253 [0] : vector<750x300xf32> to vector<300xf32>
    %broadcast_in_dim3A_255 = vector.shape_cast %reduce_max3A_254 : vector<300xf32> to vector<1x300xf32>
    %lt3A_256 = vector.broadcast %broadcast_in_dim3A_255 : vector<1x300xf32> to vector<750x300xf32>
    %lt3A_257 = arith.cmpf olt, %select_n3A_225, %lt3A_256 : vector<750x300xf32>
    %jit3A_258 = arith.constant -4.000000e+00 : f32
    %broadcast_in_dim3A_259 = vector.broadcast %jit3A_258 : f32 to vector<750x300xf32>
    %select_n3A_260 = arith.select %lt3A_257, %select_n3A_225, %broadcast_in_dim3A_259 : vector<750x300xi1>, vector<750x300xf32>
    %reduce_max3A_261 = arith.constant dense<0xFF800000> : vector<300xf32>
    %reduce_max3A_262 = vector.multi_reduction <maximumf>, %select_n3A_260, %reduce_max3A_261 [0] : vector<750x300xf32> to vector<300xf32>
    %broadcast_in_dim3A_263 = vector.shape_cast %reduce_max3A_262 : vector<300xf32> to vector<1x300xf32>
    %get3A_264 = arith.constant 0 : index
    %get3A_265 = arith.constant 1500 : index
    %get3A_266 = arith.constant 0 : index
    %get3A_267 = vector.load %arg1[%get3A_264, %get3A_265, %get3A_266] : memref<1x3000x256xf32, #tpu.memory_space<vmem>>, vector<1x750x256xf32>
    %get3A_268 = vector.shape_cast %get3A_267 : vector<1x750x256xf32> to vector<750x256xf32>
    %mul3A_269 = arith.mulf %get3A_268, %get3A_268 : vector<750x256xf32>
    %reduce_sum3A_270 = arith.constant dense<0.000000e+00> : vector<750xf32>
    %reduce_sum3A_271 = vector.multi_reduction <add>, %mul3A_269, %reduce_sum3A_270 [1] : vector<750x256xf32> to vector<750xf32>
    %broadcast_in_dim3A_272 = vector.shape_cast %reduce_sum3A_271 : vector<750xf32> to vector<750x1xf32>
    %sqrt3A_273 = math.sqrt %broadcast_in_dim3A_272 : vector<750x1xf32>
    %max3A_274 = arith.constant 9.99999996E-13 : f32
    %max3A_275 = vector.broadcast %max3A_274 : f32 to vector<750x1xf32>
    %max3A_276 = arith.maximumf %sqrt3A_273, %max3A_275 : vector<750x1xf32>
    %div3A_277 = vector.broadcast %max3A_276 : vector<750x1xf32> to vector<750x256xf32>
    %div3A_278 = arith.divf %get3A_268, %div3A_277 : vector<750x256xf32>
    %convert_element_type3A_279 = arith.truncf %div3A_278 : vector<750x256xf32> to vector<750x256xbf16>
    %convert_element_type3A_280 = arith.extf %convert_element_type3A_279 : vector<750x256xbf16> to vector<750x256xf32>
    %sub3A_281 = arith.subf %div3A_278, %convert_element_type3A_280 : vector<750x256xf32>
    %convert_element_type3A_282 = arith.truncf %sub3A_281 : vector<750x256xf32> to vector<750x256xbf16>
    %dot_general3A_283 = arith.constant dense<0.000000e+00> : vector<750x300xf32>
    %dot_general3A_284 = tpu.matmul %convert_element_type3A_279, %convert_element_type3A_37, %dot_general3A_283 {dimension_numbers = #tpu.dot_dimension_numbers<[1], [1], [0], [0], [0, 0, 1, 0], [], []>, transpose_lhs_hint = false} : vector<750x256xbf16>, vector<300x256xbf16>, vector<750x300xf32> -> vector<750x300xf32>
    %dot_general3A_285 = arith.constant dense<0.000000e+00> : vector<750x300xf32>
    %dot_general3A_286 = tpu.matmul %convert_element_type3A_279, %convert_element_type3A_39, %dot_general3A_285 {dimension_numbers = #tpu.dot_dimension_numbers<[1], [1], [0], [0], [0, 0, 1, 0], [], []>, transpose_lhs_hint = false} : vector<750x256xbf16>, vector<300x256xbf16>, vector<750x300xf32> -> vector<750x300xf32>
    %add3A_287 = arith.addf %dot_general3A_284, %dot_general3A_286 : vector<750x300xf32>
    %dot_general3A_288 = arith.constant dense<0.000000e+00> : vector<750x300xf32>
    %dot_general3A_289 = tpu.matmul %convert_element_type3A_282, %convert_element_type3A_37, %dot_general3A_288 {dimension_numbers = #tpu.dot_dimension_numbers<[1], [1], [0], [0], [0, 0, 1, 0], [], []>, transpose_lhs_hint = false} : vector<750x256xbf16>, vector<300x256xbf16>, vector<750x300xf32> -> vector<750x300xf32>
    %add3A_290 = arith.addf %add3A_287, %dot_general3A_289 : vector<750x300xf32>
    %iota3A_291 = tpu.iota {dimensions = array<i32: 0>} : vector<750x300xi32>
    %sub3A_292 = arith.constant 1500 : i32
    %sub3A_293 = vector.broadcast %sub3A_292 : i32 to vector<1x300xi32>
    %sub3A_294 = arith.subi %get3A_8, %sub3A_293 : vector<1x300xi32>
    %eq3A_295 = vector.broadcast %sub3A_294 : vector<1x300xi32> to vector<750x300xi32>
    %eq3A_296 = arith.cmpi eq, %iota3A_291, %eq3A_295 : vector<750x300xi32>
    %reduce_or3A_297 = arith.constant 1.000000e+00 : f32
    %reduce_or3A_298 = arith.constant 0.000000e+00 : f32
    %reduce_or3A_299 = vector.broadcast %reduce_or3A_297 : f32 to vector<750x300xf32>
    %reduce_or3A_300 = vector.broadcast %reduce_or3A_298 : f32 to vector<750x300xf32>
    %reduce_or3A_301 = arith.select %eq3A_296, %reduce_or3A_299, %reduce_or3A_300 : vector<750x300xi1>, vector<750x300xf32>
    %reduce_or3A_302 = arith.constant dense<0xFF800000> : vector<750xf32>
    %reduce_or3A_303 = vector.multi_reduction <maximumf>, %reduce_or3A_301, %reduce_or3A_302 [1] : vector<750x300xf32> to vector<750xf32>
    %reduce_or3A_304 = arith.constant 0.000000e+00 : f32
    %reduce_or3A_305 = vector.broadcast %reduce_or3A_304 : f32 to vector<750xf32>
    %reduce_or3A_306 = arith.cmpf ogt, %reduce_or3A_303, %reduce_or3A_305 : vector<750xf32>
    %broadcast_in_dim3A_307 = vector.shape_cast %reduce_or3A_306 : vector<750xi1> to vector<750x1xi1>
    %jit3A_308 = arith.constant -4.000000e+00 : f32
    %broadcast_in_dim3A_309 = vector.shape_cast %broadcast_in_dim3A_307 : vector<750x1xi1> to vector<750x1xi1>
    %broadcast_in_dim3A_310 = vector.broadcast %broadcast_in_dim3A_309 : vector<750x1xi1> to vector<750x300xi1>
    %broadcast_in_dim3A_311 = vector.broadcast %jit3A_308 : f32 to vector<750x300xf32>
    %select_n3A_312 = arith.select %broadcast_in_dim3A_310, %broadcast_in_dim3A_311, %add3A_290 : vector<750x300xi1>, vector<750x300xf32>
    %swap3A_313 = arith.constant 1500 : index
    %swap3A_314 = arith.constant 0 : index
    %swap3A_315 = vector.load %arg22[%swap3A_313, %swap3A_314] : memref<3000x300xf32, #tpu.memory_space<vmem>>, vector<750x300xf32>
    tpu.vector_store %arg22[%swap3A_313, %swap3A_314], %select_n3A_312 {strides = array<i32>} : memref<3000x300xf32, #tpu.memory_space<vmem>>, vector<750x300xf32>,
    %reduce_max3A_316 = arith.constant dense<0xFF800000> : vector<300xf32>
    %reduce_max3A_317 = vector.multi_reduction <maximumf>, %select_n3A_312, %reduce_max3A_316 [0] : vector<750x300xf32> to vector<300xf32>
    %broadcast_in_dim3A_318 = vector.shape_cast %reduce_max3A_317 : vector<300xf32> to vector<1x300xf32>
    %lt3A_319 = vector.broadcast %broadcast_in_dim3A_318 : vector<1x300xf32> to vector<750x300xf32>
    %lt3A_320 = arith.cmpf olt, %select_n3A_312, %lt3A_319 : vector<750x300xf32>
    %jit3A_321 = arith.constant -4.000000e+00 : f32
    %broadcast_in_dim3A_322 = vector.broadcast %jit3A_321 : f32 to vector<750x300xf32>
    %select_n3A_323 = arith.select %lt3A_320, %select_n3A_312, %broadcast_in_dim3A_322 : vector<750x300xi1>, vector<750x300xf32>
    %reduce_max3A_324 = arith.constant dense<0xFF800000> : vector<300xf32>
    %reduce_max3A_325 = vector.multi_reduction <maximumf>, %select_n3A_323, %reduce_max3A_324 [0] : vector<750x300xf32> to vector<300xf32>
    %broadcast_in_dim3A_326 = vector.shape_cast %reduce_max3A_325 : vector<300xf32> to vector<1x300xf32>
    %lt3A_327 = vector.broadcast %broadcast_in_dim3A_326 : vector<1x300xf32> to vector<750x300xf32>
    %lt3A_328 = arith.cmpf olt, %select_n3A_312, %lt3A_327 : vector<750x300xf32>
    %jit3A_329 = arith.constant -4.000000e+00 : f32
    %broadcast_in_dim3A_330 = vector.broadcast %jit3A_329 : f32 to vector<750x300xf32>
    %select_n3A_331 = arith.select %lt3A_328, %select_n3A_312, %broadcast_in_dim3A_330 : vector<750x300xi1>, vector<750x300xf32>
    %reduce_max3A_332 = arith.constant dense<0xFF800000> : vector<300xf32>
    %reduce_max3A_333 = vector.multi_reduction <maximumf>, %select_n3A_331, %reduce_max3A_332 [0] : vector<750x300xf32> to vector<300xf32>
    %broadcast_in_dim3A_334 = vector.shape_cast %reduce_max3A_333 : vector<300xf32> to vector<1x300xf32>
    %lt3A_335 = vector.broadcast %broadcast_in_dim3A_334 : vector<1x300xf32> to vector<750x300xf32>
    %lt3A_336 = arith.cmpf olt, %select_n3A_312, %lt3A_335 : vector<750x300xf32>
    %jit3A_337 = arith.constant -4.000000e+00 : f32
    %broadcast_in_dim3A_338 = vector.broadcast %jit3A_337 : f32 to vector<750x300xf32>
    %select_n3A_339 = arith.select %lt3A_336, %select_n3A_312, %broadcast_in_dim3A_338 : vector<750x300xi1>, vector<750x300xf32>
    %reduce_max3A_340 = arith.constant dense<0xFF800000> : vector<300xf32>
    %reduce_max3A_341 = vector.multi_reduction <maximumf>, %select_n3A_339, %reduce_max3A_340 [0] : vector<750x300xf32> to vector<300xf32>
    %broadcast_in_dim3A_342 = vector.shape_cast %reduce_max3A_341 : vector<300xf32> to vector<1x300xf32>
    %lt3A_343 = vector.broadcast %broadcast_in_dim3A_342 : vector<1x300xf32> to vector<750x300xf32>
    %lt3A_344 = arith.cmpf olt, %select_n3A_312, %lt3A_343 : vector<750x300xf32>
    %jit3A_345 = arith.constant -4.000000e+00 : f32
    %broadcast_in_dim3A_346 = vector.broadcast %jit3A_345 : f32 to vector<750x300xf32>
    %select_n3A_347 = arith.select %lt3A_344, %select_n3A_312, %broadcast_in_dim3A_346 : vector<750x300xi1>, vector<750x300xf32>
    %reduce_max3A_348 = arith.constant dense<0xFF800000> : vector<300xf32>
    %reduce_max3A_349 = vector.multi_reduction <maximumf>, %select_n3A_347, %reduce_max3A_348 [0] : vector<750x300xf32> to vector<300xf32>
    %broadcast_in_dim3A_350 = vector.shape_cast %reduce_max3A_349 : vector<300xf32> to vector<1x300xf32>
    %get3A_351 = arith.constant 0 : index
    %get3A_352 = arith.constant 2250 : index
    %get3A_353 = arith.constant 0 : index
    %get3A_354 = vector.load %arg1[%get3A_351, %get3A_352, %get3A_353] : memref<1x3000x256xf32, #tpu.memory_space<vmem>>, vector<1x750x256xf32>
    %get3A_355 = vector.shape_cast %get3A_354 : vector<1x750x256xf32> to vector<750x256xf32>
    %mul3A_356 = arith.mulf %get3A_355, %get3A_355 : vector<750x256xf32>
    %reduce_sum3A_357 = arith.constant dense<0.000000e+00> : vector<750xf32>
    %reduce_sum3A_358 = vector.multi_reduction <add>, %mul3A_356, %reduce_sum3A_357 [1] : vector<750x256xf32> to vector<750xf32>
    %broadcast_in_dim3A_359 = vector.shape_cast %reduce_sum3A_358 : vector<750xf32> to vector<750x1xf32>
    %sqrt3A_360 = math.sqrt %broadcast_in_dim3A_359 : vector<750x1xf32>
    %max3A_361 = arith.constant 9.99999996E-13 : f32
    %max3A_362 = vector.broadcast %max3A_361 : f32 to vector<750x1xf32>
    %max3A_363 = arith.maximumf %sqrt3A_360, %max3A_362 : vector<750x1xf32>
    %div3A_364 = vector.broadcast %max3A_363 : vector<750x1xf32> to vector<750x256xf32>
    %div3A_365 = arith.divf %get3A_355, %div3A_364 : vector<750x256xf32>
    %convert_element_type3A_366 = arith.truncf %div3A_365 : vector<750x256xf32> to vector<750x256xbf16>
    %convert_element_type3A_367 = arith.extf %convert_element_type3A_366 : vector<750x256xbf16> to vector<750x256xf32>
    %sub3A_368 = arith.subf %div3A_365, %convert_element_type3A_367 : vector<750x256xf32>
    %convert_element_type3A_369 = arith.truncf %sub3A_368 : vector<750x256xf32> to vector<750x256xbf16>
    %dot_general3A_370 = arith.constant dense<0.000000e+00> : vector<750x300xf32>
    %dot_general3A_371 = tpu.matmul %convert_element_type3A_366, %convert_element_type3A_37, %dot_general3A_370 {dimension_numbers = #tpu.dot_dimension_numbers<[1], [1], [0], [0], [0, 0, 1, 0], [], []>, transpose_lhs_hint = false} : vector<750x256xbf16>, vector<300x256xbf16>, vector<750x300xf32> -> vector<750x300xf32>
    %dot_general3A_372 = arith.constant dense<0.000000e+00> : vector<750x300xf32>
    %dot_general3A_373 = tpu.matmul %convert_element_type3A_366, %convert_element_type3A_39, %dot_general3A_372 {dimension_numbers = #tpu.dot_dimension_numbers<[1], [1], [0], [0], [0, 0, 1, 0], [], []>, transpose_lhs_hint = false} : vector<750x256xbf16>, vector<300x256xbf16>, vector<750x300xf32> -> vector<750x300xf32>
    %add3A_374 = arith.addf %dot_general3A_371, %dot_general3A_373 : vector<750x300xf32>
    %dot_general3A_375 = arith.constant dense<0.000000e+00> : vector<750x300xf32>
    %dot_general3A_376 = tpu.matmul %convert_element_type3A_369, %convert_element_type3A_37, %dot_general3A_375 {dimension_numbers = #tpu.dot_dimension_numbers<[1], [1], [0], [0], [0, 0, 1, 0], [], []>, transpose_lhs_hint = false} : vector<750x256xbf16>, vector<300x256xbf16>, vector<750x300xf32> -> vector<750x300xf32>
    %add3A_377 = arith.addf %add3A_374, %dot_general3A_376 : vector<750x300xf32>
    %iota3A_378 = tpu.iota {dimensions = array<i32: 0>} : vector<750x300xi32>
    %sub3A_379 = arith.constant 2250 : i32
    %sub3A_380 = vector.broadcast %sub3A_379 : i32 to vector<1x300xi32>
    %sub3A_381 = arith.subi %get3A_8, %sub3A_380 : vector<1x300xi32>
    %eq3A_382 = vector.broadcast %sub3A_381 : vector<1x300xi32> to vector<750x300xi32>
    %eq3A_383 = arith.cmpi eq, %iota3A_378, %eq3A_382 : vector<750x300xi32>
    %reduce_or3A_384 = arith.constant 1.000000e+00 : f32
    %reduce_or3A_385 = arith.constant 0.000000e+00 : f32
    %reduce_or3A_386 = vector.broadcast %reduce_or3A_384 : f32 to vector<750x300xf32>
    %reduce_or3A_387 = vector.broadcast %reduce_or3A_385 : f32 to vector<750x300xf32>
    %reduce_or3A_388 = arith.select %eq3A_383, %reduce_or3A_386, %reduce_or3A_387 : vector<750x300xi1>, vector<750x300xf32>
    %reduce_or3A_389 = arith.constant dense<0xFF800000> : vector<750xf32>
    %reduce_or3A_390 = vector.multi_reduction <maximumf>, %reduce_or3A_388, %reduce_or3A_389 [1] : vector<750x300xf32> to vector<750xf32>
    %reduce_or3A_391 = arith.constant 0.000000e+00 : f32
    %reduce_or3A_392 = vector.broadcast %reduce_or3A_391 : f32 to vector<750xf32>
    %reduce_or3A_393 = arith.cmpf ogt, %reduce_or3A_390, %reduce_or3A_392 : vector<750xf32>
    %broadcast_in_dim3A_394 = vector.shape_cast %reduce_or3A_393 : vector<750xi1> to vector<750x1xi1>
    %jit3A_395 = arith.constant -4.000000e+00 : f32
    %broadcast_in_dim3A_396 = vector.shape_cast %broadcast_in_dim3A_394 : vector<750x1xi1> to vector<750x1xi1>
    %broadcast_in_dim3A_397 = vector.broadcast %broadcast_in_dim3A_396 : vector<750x1xi1> to vector<750x300xi1>
    %broadcast_in_dim3A_398 = vector.broadcast %jit3A_395 : f32 to vector<750x300xf32>
    %select_n3A_399 = arith.select %broadcast_in_dim3A_397, %broadcast_in_dim3A_398, %add3A_377 : vector<750x300xi1>, vector<750x300xf32>
    %swap3A_400 = arith.constant 2250 : index
    %swap3A_401 = arith.constant 0 : index
    %swap3A_402 = vector.load %arg22[%swap3A_400, %swap3A_401] : memref<3000x300xf32, #tpu.memory_space<vmem>>, vector<750x300xf32>
    tpu.vector_store %arg22[%swap3A_400, %swap3A_401], %select_n3A_399 {strides = array<i32>} : memref<3000x300xf32, #tpu.memory_space<vmem>>, vector<750x300xf32>,
    %reduce_max3A_403 = arith.constant dense<0xFF800000> : vector<300xf32>
    %reduce_max3A_404 = vector.multi_reduction <maximumf>, %select_n3A_399, %reduce_max3A_403 [0] : vector<750x300xf32> to vector<300xf32>
    %broadcast_in_dim3A_405 = vector.shape_cast %reduce_max3A_404 : vector<300xf32> to vector<1x300xf32>
    %lt3A_406 = vector.broadcast %broadcast_in_dim3A_405 : vector<1x300xf32> to vector<750x300xf32>
    %lt3A_407 = arith.cmpf olt, %select_n3A_399, %lt3A_406 : vector<750x300xf32>
    %jit3A_408 = arith.constant -4.000000e+00 : f32
    %broadcast_in_dim3A_409 = vector.broadcast %jit3A_408 : f32 to vector<750x300xf32>
    %select_n3A_410 = arith.select %lt3A_407, %select_n3A_399, %broadcast_in_dim3A_409 : vector<750x300xi1>, vector<750x300xf32>
    %reduce_max3A_411 = arith.constant dense<0xFF800000> : vector<300xf32>
    %reduce_max3A_412 = vector.multi_reduction <maximumf>, %select_n3A_410, %reduce_max3A_411 [0] : vector<750x300xf32> to vector<300xf32>
    %broadcast_in_dim3A_413 = vector.shape_cast %reduce_max3A_412 : vector<300xf32> to vector<1x300xf32>
    %lt3A_414 = vector.broadcast %broadcast_in_dim3A_413 : vector<1x300xf32> to vector<750x300xf32>
    %lt3A_415 = arith.cmpf olt, %select_n3A_399, %lt3A_414 : vector<750x300xf32>
    %jit3A_416 = arith.constant -4.000000e+00 : f32
    %broadcast_in_dim3A_417 = vector.broadcast %jit3A_416 : f32 to vector<750x300xf32>
    %select_n3A_418 = arith.select %lt3A_415, %select_n3A_399, %broadcast_in_dim3A_417 : vector<750x300xi1>, vector<750x300xf32>
    %reduce_max3A_419 = arith.constant dense<0xFF800000> : vector<300xf32>
    %reduce_max3A_420 = vector.multi_reduction <maximumf>, %select_n3A_418, %reduce_max3A_419 [0] : vector<750x300xf32> to vector<300xf32>
    %broadcast_in_dim3A_421 = vector.shape_cast %reduce_max3A_420 : vector<300xf32> to vector<1x300xf32>
    %lt3A_422 = vector.broadcast %broadcast_in_dim3A_421 : vector<1x300xf32> to vector<750x300xf32>
    %lt3A_423 = arith.cmpf olt, %select_n3A_399, %lt3A_422 : vector<750x300xf32>
    %jit3A_424 = arith.constant -4.000000e+00 : f32
    %broadcast_in_dim3A_425 = vector.broadcast %jit3A_424 : f32 to vector<750x300xf32>
    %select_n3A_426 = arith.select %lt3A_423, %select_n3A_399, %broadcast_in_dim3A_425 : vector<750x300xi1>, vector<750x300xf32>
    %reduce_max3A_427 = arith.constant dense<0xFF800000> : vector<300xf32>
    %reduce_max3A_428 = vector.multi_reduction <maximumf>, %select_n3A_426, %reduce_max3A_427 [0] : vector<750x300xf32> to vector<300xf32>
    %broadcast_in_dim3A_429 = vector.shape_cast %reduce_max3A_428 : vector<300xf32> to vector<1x300xf32>
    %lt3A_430 = vector.broadcast %broadcast_in_dim3A_429 : vector<1x300xf32> to vector<750x300xf32>
    %lt3A_431 = arith.cmpf olt, %select_n3A_399, %lt3A_430 : vector<750x300xf32>
    %jit3A_432 = arith.constant -4.000000e+00 : f32
    %broadcast_in_dim3A_433 = vector.broadcast %jit3A_432 : f32 to vector<750x300xf32>
    %select_n3A_434 = arith.select %lt3A_431, %select_n3A_399, %broadcast_in_dim3A_433 : vector<750x300xi1>, vector<750x300xf32>
    %reduce_max3A_435 = arith.constant dense<0xFF800000> : vector<300xf32>
    %reduce_max3A_436 = vector.multi_reduction <maximumf>, %select_n3A_434, %reduce_max3A_435 [0] : vector<750x300xf32> to vector<300xf32>
    %broadcast_in_dim3A_437 = vector.shape_cast %reduce_max3A_436 : vector<300xf32> to vector<1x300xf32>
    %concatenate3A = tpu.concatenate %broadcast_in_dim3A_144, %broadcast_in_dim3A_152, %broadcast_in_dim3A_160, %broadcast_in_dim3A_168, %broadcast_in_dim3A_176, %broadcast_in_dim3A_231, %broadcast_in_dim3A_239, %broadcast_in_dim3A_247, %broadcast_in_dim3A_255, %broadcast_in_dim3A_263, %broadcast_in_dim3A_318, %broadcast_in_dim3A_326, %broadcast_in_dim3A_334, %broadcast_in_dim3A_342, %broadcast_in_dim3A_350, %broadcast_in_dim3A_405, %broadcast_in_dim3A_413, %broadcast_in_dim3A_421, %broadcast_in_dim3A_429, %broadcast_in_dim3A_437 in 0 : vector<1x300xf32>, vector<1x300xf32>, vector<1x300xf32>, vector<1x300xf32>, vector<1x300xf32>, vector<1x300xf32>, vector<1x300xf32>, vector<1x300xf32>, vector<1x300xf32>, vector<1x300xf32>, vector<1x300xf32>, vector<1x300xf32>, vector<1x300xf32>, vector<1x300xf32>, vector<1x300xf32>, vector<1x300xf32>, vector<1x300xf32>, vector<1x300xf32>, vector<1x300xf32>, vector<1x300xf32> -> vector<20x300xf32>
    %reduce_max3A_438 = arith.constant dense<0xFF800000> : vector<300xf32>
    %reduce_max3A_439 = vector.multi_reduction <maximumf>, %concatenate3A, %reduce_max3A_438 [0] : vector<20x300xf32> to vector<300xf32>
    %broadcast_in_dim3A_440 = vector.shape_cast %reduce_max3A_439 : vector<300xf32> to vector<1x300xf32>
    %lt3A_441 = vector.broadcast %broadcast_in_dim3A_440 : vector<1x300xf32> to vector<20x300xf32>
    %lt3A_442 = arith.cmpf olt, %concatenate3A, %lt3A_441 : vector<20x300xf32>
    %jit3A_443 = arith.constant -4.000000e+00 : f32
    %broadcast_in_dim3A_444 = vector.broadcast %jit3A_443 : f32 to vector<20x300xf32>
    %select_n3A_445 = arith.select %lt3A_442, %concatenate3A, %broadcast_in_dim3A_444 : vector<20x300xi1>, vector<20x300xf32>
    %reduce_max3A_446 = arith.constant dense<0xFF800000> : vector<300xf32>
    %reduce_max3A_447 = vector.multi_reduction <maximumf>, %select_n3A_445, %reduce_max3A_446 [0] : vector<20x300xf32> to vector<300xf32>
    %broadcast_in_dim3A_448 = vector.shape_cast %reduce_max3A_447 : vector<300xf32> to vector<1x300xf32>
    %lt3A_449 = vector.broadcast %broadcast_in_dim3A_448 : vector<1x300xf32> to vector<20x300xf32>
    %lt3A_450 = arith.cmpf olt, %concatenate3A, %lt3A_449 : vector<20x300xf32>
    %jit3A_451 = arith.constant -4.000000e+00 : f32
    %broadcast_in_dim3A_452 = vector.broadcast %jit3A_451 : f32 to vector<20x300xf32>
    %select_n3A_453 = arith.select %lt3A_450, %concatenate3A, %broadcast_in_dim3A_452 : vector<20x300xi1>, vector<20x300xf32>
    %reduce_max3A_454 = arith.constant dense<0xFF800000> : vector<300xf32>
    %reduce_max3A_455 = vector.multi_reduction <maximumf>, %select_n3A_453, %reduce_max3A_454 [0] : vector<20x300xf32> to vector<300xf32>
    %broadcast_in_dim3A_456 = vector.shape_cast %reduce_max3A_455 : vector<300xf32> to vector<1x300xf32>
    %lt3A_457 = vector.broadcast %broadcast_in_dim3A_456 : vector<1x300xf32> to vector<20x300xf32>
    %lt3A_458 = arith.cmpf olt, %concatenate3A, %lt3A_457 : vector<20x300xf32>
    %jit3A_459 = arith.constant -4.000000e+00 : f32
    %broadcast_in_dim3A_460 = vector.broadcast %jit3A_459 : f32 to vector<20x300xf32>
    %select_n3A_461 = arith.select %lt3A_458, %concatenate3A, %broadcast_in_dim3A_460 : vector<20x300xi1>, vector<20x300xf32>
    %reduce_max3A_462 = arith.constant dense<0xFF800000> : vector<300xf32>
    %reduce_max3A_463 = vector.multi_reduction <maximumf>, %select_n3A_461, %reduce_max3A_462 [0] : vector<20x300xf32> to vector<300xf32>
    %broadcast_in_dim3A_464 = vector.shape_cast %reduce_max3A_463 : vector<300xf32> to vector<1x300xf32>
    %lt3A_465 = vector.broadcast %broadcast_in_dim3A_464 : vector<1x300xf32> to vector<20x300xf32>
    %lt3A_466 = arith.cmpf olt, %concatenate3A, %lt3A_465 : vector<20x300xf32>
    %jit3A_467 = arith.constant -4.000000e+00 : f32
    %broadcast_in_dim3A_468 = vector.broadcast %jit3A_467 : f32 to vector<20x300xf32>
    %select_n3A_469 = arith.select %lt3A_466, %concatenate3A, %broadcast_in_dim3A_468 : vector<20x300xi1>, vector<20x300xf32>
    %reduce_max3A_470 = arith.constant dense<0xFF800000> : vector<300xf32>
    %reduce_max3A_471 = vector.multi_reduction <maximumf>, %select_n3A_469, %reduce_max3A_470 [0] : vector<20x300xf32> to vector<300xf32>
    %broadcast_in_dim3A_472 = vector.shape_cast %reduce_max3A_471 : vector<300xf32> to vector<1x300xf32>
    %broadcast_in_dim3A_473 = arith.constant 0.000000e+00 : f32
    %broadcast_in_dim3A_474 = vector.broadcast %broadcast_in_dim3A_473 : f32 to vector<1x300xf32>
    %broadcast_in_dim3A_475 = arith.constant 0.000000e+00 : f32
    %broadcast_in_dim3A_476 = vector.broadcast %broadcast_in_dim3A_475 : f32 to vector<300x256xf32>
    %get3A_477 = arith.constant 0 : index
    %get3A_478 = arith.constant 0 : index
    %get3A_479 = vector.load %arg22[%get3A_477, %get3A_478] : memref<3000x300xf32, #tpu.memory_space<vmem>>, vector<750x300xf32>
    %gt3A_480 = arith.constant 6.000000e-01 : f32
    %gt3A_481 = vector.broadcast %gt3A_480 : f32 to vector<750x300xf32>
    %gt3A_482 = arith.cmpf ogt, %get3A_479, %gt3A_481 : vector<750x300xf32>
    %ge3A_483 = vector.broadcast %broadcast_in_dim3A_472 : vector<1x300xf32> to vector<750x300xf32>
    %ge3A_484 = arith.cmpf oge, %get3A_479, %ge3A_483 : vector<750x300xf32>
    %and3A = arith.andi %gt3A_482, %ge3A_484 : vector<750x300xi1>
    %convert_element_type3A_485 = arith.extui %and3A : vector<750x300xi1> to vector<750x300xi32>
    %convert_element_type3A_486 = arith.sitofp %convert_element_type3A_485 : vector<750x300xi32> to vector<750x300xf32>
    %reduce_sum3A_487 = arith.constant dense<0.000000e+00> : vector<300xf32>
    %reduce_sum3A_488 = vector.multi_reduction <add>, %convert_element_type3A_486, %reduce_sum3A_487 [0] : vector<750x300xf32> to vector<300xf32>
    %broadcast_in_dim3A_489 = vector.shape_cast %reduce_sum3A_488 : vector<300xf32> to vector<1x300xf32>
    %add3A_490 = arith.addf %broadcast_in_dim3A_474, %broadcast_in_dim3A_489 : vector<1x300xf32>
    %convert_element_type3A_491 = arith.extui %and3A : vector<750x300xi1> to vector<750x300xi32>
    %convert_element_type3A_492 = arith.sitofp %convert_element_type3A_491 : vector<750x300xi32> to vector<750x300xf32>
    %convert_element_type3A_493 = arith.truncf %convert_element_type3A_492 : vector<750x300xf32> to vector<750x300xbf16>
    %get3A_494 = arith.constant 0 : index
    %get3A_495 = arith.constant 0 : index
    %get3A_496 = arith.constant 0 : index
    %get3A_497 = vector.load %arg1[%get3A_494, %get3A_495, %get3A_496] : memref<1x3000x256xf32, #tpu.memory_space<vmem>>, vector<1x750x256xf32>
    %get3A_498 = vector.shape_cast %get3A_497 : vector<1x750x256xf32> to vector<750x256xf32>
    %convert_element_type3A_499 = arith.truncf %get3A_498 : vector<750x256xf32> to vector<750x256xbf16>
    %convert_element_type3A_500 = arith.extf %convert_element_type3A_499 : vector<750x256xbf16> to vector<750x256xf32>
    %sub3A_501 = arith.subf %get3A_498, %convert_element_type3A_500 : vector<750x256xf32>
    %convert_element_type3A_502 = arith.truncf %sub3A_501 : vector<750x256xf32> to vector<750x256xbf16>
    %dot_general3A_503 = arith.constant dense<0.000000e+00> : vector<300x256xf32>
    %dot_general3A_504 = tpu.matmul %convert_element_type3A_493, %convert_element_type3A_499, %dot_general3A_503 {dimension_numbers = #tpu.dot_dimension_numbers<[0], [0], [1], [1], [0, 1, 1, 1], [], []>, transpose_lhs_hint = false} : vector<750x300xbf16>, vector<750x256xbf16>, vector<300x256xf32> -> vector<300x256xf32>
    %add3A_505 = arith.addf %broadcast_in_dim3A_476, %dot_general3A_504 : vector<300x256xf32>
    %dot_general3A_506 = arith.constant dense<0.000000e+00> : vector<300x256xf32>
    %dot_general3A_507 = tpu.matmul %convert_element_type3A_493, %convert_element_type3A_502, %dot_general3A_506 {dimension_numbers = #tpu.dot_dimension_numbers<[0], [0], [1], [1], [0, 1, 1, 1], [], []>, transpose_lhs_hint = false} : vector<750x300xbf16>, vector<750x256xbf16>, vector<300x256xf32> -> vector<300x256xf32>
    %add3A_508 = arith.addf %add3A_505, %dot_general3A_507 : vector<300x256xf32>
    %get3A_509 = arith.constant 750 : index
    %get3A_510 = arith.constant 0 : index
    %get3A_511 = vector.load %arg22[%get3A_509, %get3A_510] : memref<3000x300xf32, #tpu.memory_space<vmem>>, vector<750x300xf32>
    %gt3A_512 = arith.constant 6.000000e-01 : f32
    %gt3A_513 = vector.broadcast %gt3A_512 : f32 to vector<750x300xf32>
    %gt3A_514 = arith.cmpf ogt, %get3A_511, %gt3A_513 : vector<750x300xf32>
    %ge3A_515 = vector.broadcast %broadcast_in_dim3A_472 : vector<1x300xf32> to vector<750x300xf32>
    %ge3A_516 = arith.cmpf oge, %get3A_511, %ge3A_515 : vector<750x300xf32>
    %and3A_517 = arith.andi %gt3A_514, %ge3A_516 : vector<750x300xi1>
    %convert_element_type3A_518 = arith.extui %and3A_517 : vector<750x300xi1> to vector<750x300xi32>
    %convert_element_type3A_519 = arith.sitofp %convert_element_type3A_518 : vector<750x300xi32> to vector<750x300xf32>
    %reduce_sum3A_520 = arith.constant dense<0.000000e+00> : vector<300xf32>
    %reduce_sum3A_521 = vector.multi_reduction <add>, %convert_element_type3A_519, %reduce_sum3A_520 [0] : vector<750x300xf32> to vector<300xf32>
    %broadcast_in_dim3A_522 = vector.shape_cast %reduce_sum3A_521 : vector<300xf32> to vector<1x300xf32>
    %add3A_523 = arith.addf %add3A_490, %broadcast_in_dim3A_522 : vector<1x300xf32>
    %convert_element_type3A_524 = arith.extui %and3A_517 : vector<750x300xi1> to vector<750x300xi32>
    %convert_element_type3A_525 = arith.sitofp %convert_element_type3A_524 : vector<750x300xi32> to vector<750x300xf32>
    %convert_element_type3A_526 = arith.truncf %convert_element_type3A_525 : vector<750x300xf32> to vector<750x300xbf16>
    %get3A_527 = arith.constant 0 : index
    %get3A_528 = arith.constant 750 : index
    %get3A_529 = arith.constant 0 : index
    %get3A_530 = vector.load %arg1[%get3A_527, %get3A_528, %get3A_529] : memref<1x3000x256xf32, #tpu.memory_space<vmem>>, vector<1x750x256xf32>
    %get3A_531 = vector.shape_cast %get3A_530 : vector<1x750x256xf32> to vector<750x256xf32>
    %convert_element_type3A_532 = arith.truncf %get3A_531 : vector<750x256xf32> to vector<750x256xbf16>
    %convert_element_type3A_533 = arith.extf %convert_element_type3A_532 : vector<750x256xbf16> to vector<750x256xf32>
    %sub3A_534 = arith.subf %get3A_531, %convert_element_type3A_533 : vector<750x256xf32>
    %convert_element_type3A_535 = arith.truncf %sub3A_534 : vector<750x256xf32> to vector<750x256xbf16>
    %dot_general3A_536 = arith.constant dense<0.000000e+00> : vector<300x256xf32>
    %dot_general3A_537 = tpu.matmul %convert_element_type3A_526, %convert_element_type3A_532, %dot_general3A_536 {dimension_numbers = #tpu.dot_dimension_numbers<[0], [0], [1], [1], [0, 1, 1, 1], [], []>, transpose_lhs_hint = false} : vector<750x300xbf16>, vector<750x256xbf16>, vector<300x256xf32> -> vector<300x256xf32>
    %add3A_538 = arith.addf %add3A_508, %dot_general3A_537 : vector<300x256xf32>
    %dot_general3A_539 = arith.constant dense<0.000000e+00> : vector<300x256xf32>
    %dot_general3A_540 = tpu.matmul %convert_element_type3A_526, %convert_element_type3A_535, %dot_general3A_539 {dimension_numbers = #tpu.dot_dimension_numbers<[0], [0], [1], [1], [0, 1, 1, 1], [], []>, transpose_lhs_hint = false} : vector<750x300xbf16>, vector<750x256xbf16>, vector<300x256xf32> -> vector<300x256xf32>
    %add3A_541 = arith.addf %add3A_538, %dot_general3A_540 : vector<300x256xf32>
    %get3A_542 = arith.constant 1500 : index
    %get3A_543 = arith.constant 0 : index
    %get3A_544 = vector.load %arg22[%get3A_542, %get3A_543] : memref<3000x300xf32, #tpu.memory_space<vmem>>, vector<750x300xf32>
    %gt3A_545 = arith.constant 6.000000e-01 : f32
    %gt3A_546 = vector.broadcast %gt3A_545 : f32 to vector<750x300xf32>
    %gt3A_547 = arith.cmpf ogt, %get3A_544, %gt3A_546 : vector<750x300xf32>
    %ge3A_548 = vector.broadcast %broadcast_in_dim3A_472 : vector<1x300xf32> to vector<750x300xf32>
    %ge3A_549 = arith.cmpf oge, %get3A_544, %ge3A_548 : vector<750x300xf32>
    %and3A_550 = arith.andi %gt3A_547, %ge3A_549 : vector<750x300xi1>
    %convert_element_type3A_551 = arith.extui %and3A_550 : vector<750x300xi1> to vector<750x300xi32>
    %convert_element_type3A_552 = arith.sitofp %convert_element_type3A_551 : vector<750x300xi32> to vector<750x300xf32>
    %reduce_sum3A_553 = arith.constant dense<0.000000e+00> : vector<300xf32>
    %reduce_sum3A_554 = vector.multi_reduction <add>, %convert_element_type3A_552, %reduce_sum3A_553 [0] : vector<750x300xf32> to vector<300xf32>
    %broadcast_in_dim3A_555 = vector.shape_cast %reduce_sum3A_554 : vector<300xf32> to vector<1x300xf32>
    %add3A_556 = arith.addf %add3A_523, %broadcast_in_dim3A_555 : vector<1x300xf32>
    %convert_element_type3A_557 = arith.extui %and3A_550 : vector<750x300xi1> to vector<750x300xi32>
    %convert_element_type3A_558 = arith.sitofp %convert_element_type3A_557 : vector<750x300xi32> to vector<750x300xf32>
    %convert_element_type3A_559 = arith.truncf %convert_element_type3A_558 : vector<750x300xf32> to vector<750x300xbf16>
    %get3A_560 = arith.constant 0 : index
    %get3A_561 = arith.constant 1500 : index
    %get3A_562 = arith.constant 0 : index
    %get3A_563 = vector.load %arg1[%get3A_560, %get3A_561, %get3A_562] : memref<1x3000x256xf32, #tpu.memory_space<vmem>>, vector<1x750x256xf32>
    %get3A_564 = vector.shape_cast %get3A_563 : vector<1x750x256xf32> to vector<750x256xf32>
    %convert_element_type3A_565 = arith.truncf %get3A_564 : vector<750x256xf32> to vector<750x256xbf16>
    %convert_element_type3A_566 = arith.extf %convert_element_type3A_565 : vector<750x256xbf16> to vector<750x256xf32>
    %sub3A_567 = arith.subf %get3A_564, %convert_element_type3A_566 : vector<750x256xf32>
    %convert_element_type3A_568 = arith.truncf %sub3A_567 : vector<750x256xf32> to vector<750x256xbf16>
    %dot_general3A_569 = arith.constant dense<0.000000e+00> : vector<300x256xf32>
    %dot_general3A_570 = tpu.matmul %convert_element_type3A_559, %convert_element_type3A_565, %dot_general3A_569 {dimension_numbers = #tpu.dot_dimension_numbers<[0], [0], [1], [1], [0, 1, 1, 1], [], []>, transpose_lhs_hint = false} : vector<750x300xbf16>, vector<750x256xbf16>, vector<300x256xf32> -> vector<300x256xf32>
    %add3A_571 = arith.addf %add3A_541, %dot_general3A_570 : vector<300x256xf32>
    %dot_general3A_572 = arith.constant dense<0.000000e+00> : vector<300x256xf32>
    %dot_general3A_573 = tpu.matmul %convert_element_type3A_559, %convert_element_type3A_568, %dot_general3A_572 {dimension_numbers = #tpu.dot_dimension_numbers<[0], [0], [1], [1], [0, 1, 1, 1], [], []>, transpose_lhs_hint = false} : vector<750x300xbf16>, vector<750x256xbf16>, vector<300x256xf32> -> vector<300x256xf32>
    %add3A_574 = arith.addf %add3A_571, %dot_general3A_573 : vector<300x256xf32>
    %get3A_575 = arith.constant 2250 : index
    %get3A_576 = arith.constant 0 : index
    %get3A_577 = vector.load %arg22[%get3A_575, %get3A_576] : memref<3000x300xf32, #tpu.memory_space<vmem>>, vector<750x300xf32>
    %gt3A_578 = arith.constant 6.000000e-01 : f32
    %gt3A_579 = vector.broadcast %gt3A_578 : f32 to vector<750x300xf32>
    %gt3A_580 = arith.cmpf ogt, %get3A_577, %gt3A_579 : vector<750x300xf32>
    %ge3A_581 = vector.broadcast %broadcast_in_dim3A_472 : vector<1x300xf32> to vector<750x300xf32>
    %ge3A_582 = arith.cmpf oge, %get3A_577, %ge3A_581 : vector<750x300xf32>
    %and3A_583 = arith.andi %gt3A_580, %ge3A_582 : vector<750x300xi1>
    %convert_element_type3A_584 = arith.extui %and3A_583 : vector<750x300xi1> to vector<750x300xi32>
    %convert_element_type3A_585 = arith.sitofp %convert_element_type3A_584 : vector<750x300xi32> to vector<750x300xf32>
    %reduce_sum3A_586 = arith.constant dense<0.000000e+00> : vector<300xf32>
    %reduce_sum3A_587 = vector.multi_reduction <add>, %convert_element_type3A_585, %reduce_sum3A_586 [0] : vector<750x300xf32> to vector<300xf32>
    %broadcast_in_dim3A_588 = vector.shape_cast %reduce_sum3A_587 : vector<300xf32> to vector<1x300xf32>
    %add3A_589 = arith.addf %add3A_556, %broadcast_in_dim3A_588 : vector<1x300xf32>
    %convert_element_type3A_590 = arith.extui %and3A_583 : vector<750x300xi1> to vector<750x300xi32>
    %convert_element_type3A_591 = arith.sitofp %convert_element_type3A_590 : vector<750x300xi32> to vector<750x300xf32>
    %convert_element_type3A_592 = arith.truncf %convert_element_type3A_591 : vector<750x300xf32> to vector<750x300xbf16>
    %get3A_593 = arith.constant 0 : index
    %get3A_594 = arith.constant 2250 : index
    %get3A_595 = arith.constant 0 : index
    %get3A_596 = vector.load %arg1[%get3A_593, %get3A_594, %get3A_595] : memref<1x3000x256xf32, #tpu.memory_space<vmem>>, vector<1x750x256xf32>
    %get3A_597 = vector.shape_cast %get3A_596 : vector<1x750x256xf32> to vector<750x256xf32>
    %convert_element_type3A_598 = arith.truncf %get3A_597 : vector<750x256xf32> to vector<750x256xbf16>
    %convert_element_type3A_599 = arith.extf %convert_element_type3A_598 : vector<750x256xbf16> to vector<750x256xf32>
    %sub3A_600 = arith.subf %get3A_597, %convert_element_type3A_599 : vector<750x256xf32>
    %convert_element_type3A_601 = arith.truncf %sub3A_600 : vector<750x256xf32> to vector<750x256xbf16>
    %dot_general3A_602 = arith.constant dense<0.000000e+00> : vector<300x256xf32>
    %dot_general3A_603 = tpu.matmul %convert_element_type3A_592, %convert_element_type3A_598, %dot_general3A_602 {dimension_numbers = #tpu.dot_dimension_numbers<[0], [0], [1], [1], [0, 1, 1, 1], [], []>, transpose_lhs_hint = false} : vector<750x300xbf16>, vector<750x256xbf16>, vector<300x256xf32> -> vector<300x256xf32>
    %add3A_604 = arith.addf %add3A_574, %dot_general3A_603 : vector<300x256xf32>
    %dot_general3A_605 = arith.constant dense<0.000000e+00> : vector<300x256xf32>
    %dot_general3A_606 = tpu.matmul %convert_element_type3A_592, %convert_element_type3A_601, %dot_general3A_605 {dimension_numbers = #tpu.dot_dimension_numbers<[0], [0], [1], [1], [0, 1, 1, 1], [], []>, transpose_lhs_hint = false} : vector<750x300xbf16>, vector<750x256xbf16>, vector<300x256xf32> -> vector<300x256xf32>
    %add3A_607 = arith.addf %add3A_604, %dot_general3A_606 : vector<300x256xf32>
    %get3A_608 = arith.constant 0 : index
    %get3A_609 = arith.constant 0 : index
    %get3A_610 = vector.load %arg9[%get3A_608, %get3A_609] : memref<300x300xf32, #tpu.memory_space<vmem>>, vector<300x300xf32>
    %dot_general3A_611 = arith.constant dense<0.000000e+00> : vector<300x1xf32>
    %dot_general3A_612 = tpu.matmul %get3A_610, %add3A_589, %dot_general3A_611 {dimension_numbers = #tpu.dot_dimension_numbers<[1], [1], [0], [0], [0, 0, 1, 0], [], []>, precision = #tpu.contract_precision<fp32>, transpose_lhs_hint = false} : vector<300x300xf32>, vector<1x300xf32>, vector<300x1xf32> -> vector<300x1xf32>
    %add3A_613 = arith.addf %get3A_3, %add3A_607 : vector<300x256xf32>
    %add3A_614 = arith.constant 1.000000e+00 : f32
    %add3A_615 = vector.broadcast %add3A_614 : f32 to vector<300x1xf32>
    %add3A_616 = arith.addf %add3A_615, %dot_general3A_612 : vector<300x1xf32>
    %div3A_617 = vector.broadcast %add3A_616 : vector<300x1xf32> to vector<300x256xf32>
    %div3A_618 = arith.divf %add3A_613, %div3A_617 : vector<300x256xf32>
    %dot_general3A_619 = arith.constant dense<0.000000e+00> : vector<300x81xf32>
    %dot_general3A_620 = tpu.matmul %div3A_618, %get3A_21, %dot_general3A_619 {dimension_numbers = #tpu.dot_dimension_numbers<[1], [1], [0], [0], [0, 0, 1, 0], [], []>, precision = #tpu.contract_precision<fp32>, transpose_lhs_hint = false} : vector<300x256xf32>, vector<81x256xf32>, vector<300x81xf32> -> vector<300x81xf32>
    %add3A_621 = vector.broadcast %get3A_24 : vector<1x81xf32> to vector<300x81xf32>
    %add3A_622 = arith.addf %dot_general3A_620, %add3A_621 : vector<300x81xf32>
    %reduce_max3A_623 = arith.constant dense<0xFF800000> : vector<300xf32>
    %reduce_max3A_624 = vector.multi_reduction <maximumf>, %add3A_622, %reduce_max3A_623 [1] : vector<300x81xf32> to vector<300xf32>
    %broadcast_in_dim3A_625 = vector.shape_cast %reduce_max3A_624 : vector<300xf32> to vector<300x1xf32>
    %sub3A_626 = vector.broadcast %broadcast_in_dim3A_625 : vector<300x1xf32> to vector<300x81xf32>
    %sub3A_627 = arith.subf %add3A_622, %sub3A_626 : vector<300x81xf32>
    %exp3A = math.exp %sub3A_627 : vector<300x81xf32>
    %reduce_sum3A_628 = arith.constant dense<0.000000e+00> : vector<300xf32>
    %reduce_sum3A_629 = vector.multi_reduction <add>, %exp3A, %reduce_sum3A_628 [1] : vector<300x81xf32> to vector<300xf32>
    %broadcast_in_dim3A_630 = vector.shape_cast %reduce_sum3A_629 : vector<300xf32> to vector<300x1xf32>
    %log3A = math.log %broadcast_in_dim3A_630 : vector<300x1xf32>
    %add3A_631 = arith.addf %log3A, %broadcast_in_dim3A_625 : vector<300x1xf32>
    %iota3A_632 = tpu.iota {dimensions = array<i32: 1>} : vector<300x81xi32>
    %eq3A_633 = arith.constant 80 : i32
    %eq3A_634 = vector.broadcast %eq3A_633 : i32 to vector<300x81xi32>
    %eq3A_635 = arith.cmpi eq, %iota3A_632, %eq3A_634 : vector<300x81xi32>
    %jit3A_636 = arith.constant 0.000000e+00 : f32
    %broadcast_in_dim3A_637 = vector.broadcast %jit3A_636 : f32 to vector<300x81xf32>
    %select_n3A_638 = arith.select %eq3A_635, %add3A_622, %broadcast_in_dim3A_637 : vector<300x81xi1>, vector<300x81xf32>
    %reduce_sum3A_639 = arith.constant dense<0.000000e+00> : vector<300xf32>
    %reduce_sum3A_640 = vector.multi_reduction <add>, %select_n3A_638, %reduce_sum3A_639 [1] : vector<300x81xf32> to vector<300xf32>
    %broadcast_in_dim3A_641 = vector.shape_cast %reduce_sum3A_640 : vector<300xf32> to vector<300x1xf32>
    %sub3A_642 = arith.subf %add3A_631, %broadcast_in_dim3A_641 : vector<300x1xf32>
    %gt3A_643 = arith.constant 0.000000e+00 : f32
    %gt3A_644 = vector.broadcast %gt3A_643 : f32 to vector<300x1xf32>
    %gt3A_645 = arith.cmpf ogt, %dot_general3A_612, %gt3A_644 : vector<300x1xf32>
    %and3A_646 = arith.andi %ge3A, %gt3A_645 : vector<300x1xi1>
    %convert_element_type3A_647 = arith.extui %and3A_646 : vector<300x1xi1> to vector<300x1xi32>
    %convert_element_type3A_648 = arith.sitofp %convert_element_type3A_647 : vector<300x1xi32> to vector<300x1xf32>
    %dot_general3A_649 = arith.constant dense<0.000000e+00> : vector<81x300xf32>
    %dot_general3A_650 = tpu.matmul %get3A_32, %div3A_36, %dot_general3A_649 {dimension_numbers = #tpu.dot_dimension_numbers<[1], [1], [0], [0], [0, 0, 1, 0], [], []>, precision = #tpu.contract_precision<fp32>, transpose_lhs_hint = false} : vector<81x256xf32>, vector<300x256xf32>, vector<81x300xf32> -> vector<81x300xf32>
    %div3A_651 = arith.constant 1.000000e-01 : f32
    %div3A_652 = vector.broadcast %div3A_651 : f32 to vector<81x300xf32>
    %div3A_653 = arith.divf %dot_general3A_650, %div3A_652 : vector<81x300xf32>
    %exp3A_654 = math.exp %div3A_653 : vector<81x300xf32>
    %iota3A_655 = tpu.iota {dimensions = array<i32: 0>} : vector<81x300xi32>
    %eq3A_656 = vector.broadcast %get3A_13 : vector<1x300xi32> to vector<81x300xi32>
    %eq3A_657 = arith.cmpi eq, %iota3A_655, %eq3A_656 : vector<81x300xi32>
    %convert_element_type3A_658 = arith.extui %eq3A_657 : vector<81x300xi1> to vector<81x300xi32>
    %convert_element_type3A_659 = arith.sitofp %convert_element_type3A_658 : vector<81x300xi32> to vector<81x300xf32>
    %gt3A_660 = arith.constant 0.000000e+00 : f32
    %gt3A_661 = vector.broadcast %gt3A_660 : f32 to vector<81x300xf32>
    %gt3A_662 = arith.cmpf ogt, %convert_element_type3A_659, %gt3A_661 : vector<81x300xf32>
    %jit3A_663 = arith.constant 0.000000e+00 : f32
    %broadcast_in_dim3A_664 = vector.broadcast %jit3A_663 : f32 to vector<81x300xf32>
    %select_n3A_665 = arith.select %gt3A_662, %div3A_653, %broadcast_in_dim3A_664 : vector<81x300xi1>, vector<81x300xf32>
    %reduce_sum3A_666 = arith.constant dense<0.000000e+00> : vector<300xf32>
    %reduce_sum3A_667 = vector.multi_reduction <add>, %select_n3A_665, %reduce_sum3A_666 [0] : vector<81x300xf32> to vector<300xf32>
    %broadcast_in_dim3A_668 = vector.shape_cast %reduce_sum3A_667 : vector<300xf32> to vector<1x300xf32>
    %swap3A_669 = arith.index_cast %arg0 : i32 to index
    %swap3A_670 = arith.constant 0 : index
    %swap3A_671 = vector.load %arg21[%swap3A_669, %swap3A_670] : memref<16x300xf32, #tpu.memory_space<vmem>>, vector<1x300xf32>
    tpu.vector_store %arg21[%swap3A_669, %swap3A_670], %broadcast_in_dim3A_668 {strides = array<i32>} : memref<16x300xf32, #tpu.memory_space<vmem>>, vector<1x300xf32>,
    %get3A_672 = arith.constant 0 : index
    %get3A_673 = arith.constant 0 : index
    %get3A_674 = vector.load %arg17[%get3A_672, %get3A_673] : memref<1x1xf32, #tpu.memory_space<vmem>>, vector<1x1xf32>
    %mul3A_675 = arith.mulf %sub3A_642, %convert_element_type3A_648 : vector<300x1xf32>
    %reduce_sum3A_676 = vector.shape_cast %mul3A_675 : vector<300x1xf32> to vector<1x300x1xf32>
    %reduce_sum3A_677 = arith.constant dense<0.000000e+00> : vector<1xf32>
    %reduce_sum3A_678 = vector.multi_reduction <add>, %reduce_sum3A_676, %reduce_sum3A_677 [1, 2] : vector<1x300x1xf32> to vector<1xf32>
    %reduce_sum3A_679 = vector.shape_cast %reduce_sum3A_678 : vector<1xf32> to vector<1x1x1xf32>
    %reduce_sum3A_680 = vector.extract %reduce_sum3A_679[0, 0, 0] : f32 from vector<1x1x1xf32>
    %add3A_681 = vector.broadcast %reduce_sum3A_680 : f32 to vector<1x1xf32>
    %add3A_682 = arith.addf %get3A_674, %add3A_681 : vector<1x1xf32>
    %swap3A_683 = arith.constant 0 : index
    %swap3A_684 = arith.constant 0 : index
    %swap3A_685 = vector.load %arg17[%swap3A_683, %swap3A_684] : memref<1x1xf32, #tpu.memory_space<vmem>>, vector<1x1xf32>
    tpu.vector_store %arg17[%swap3A_683, %swap3A_684], %add3A_682 {strides = array<i32>} : memref<1x1xf32, #tpu.memory_space<vmem>>, vector<1x1xf32>,
    %get3A_686 = arith.constant 0 : index
    %get3A_687 = arith.constant 0 : index
    %get3A_688 = vector.load %arg18[%get3A_686, %get3A_687] : memref<1x1xf32, #tpu.memory_space<vmem>>, vector<1x1xf32>
    %reduce_sum3A_689 = vector.shape_cast %convert_element_type3A_648 : vector<300x1xf32> to vector<1x300x1xf32>
    %reduce_sum3A_690 = arith.constant dense<0.000000e+00> : vector<1xf32>
    %reduce_sum3A_691 = vector.multi_reduction <add>, %reduce_sum3A_689, %reduce_sum3A_690 [1, 2] : vector<1x300x1xf32> to vector<1xf32>
    %reduce_sum3A_692 = vector.shape_cast %reduce_sum3A_691 : vector<1xf32> to vector<1x1x1xf32>
    %reduce_sum3A_693 = vector.extract %reduce_sum3A_692[0, 0, 0] : f32 from vector<1x1x1xf32>
    %add3A_694 = vector.broadcast %reduce_sum3A_693 : f32 to vector<1x1xf32>
    %add3A_695 = arith.addf %get3A_688, %add3A_694 : vector<1x1xf32>
    %swap3A_696 = arith.constant 0 : index
    %swap3A_697 = arith.constant 0 : index
    %swap3A_698 = vector.load %arg18[%swap3A_696, %swap3A_697] : memref<1x1xf32, #tpu.memory_space<vmem>>, vector<1x1xf32>
    tpu.vector_store %arg18[%swap3A_696, %swap3A_697], %add3A_695 {strides = array<i32>} : memref<1x1xf32, #tpu.memory_space<vmem>>, vector<1x1xf32>,
    %get3A_699 = arith.constant 0 : index
    %get3A_700 = arith.constant 0 : index
    %get3A_701 = vector.load %arg19[%get3A_699, %get3A_700] : memref<81x1xf32, #tpu.memory_space<vmem>>, vector<81x1xf32>
    %reduce_sum3A_702 = arith.constant dense<0.000000e+00> : vector<81xf32>
    %reduce_sum3A_703 = vector.multi_reduction <add>, %exp3A_654, %reduce_sum3A_702 [1] : vector<81x300xf32> to vector<81xf32>
    %broadcast_in_dim3A_704 = vector.shape_cast %reduce_sum3A_703 : vector<81xf32> to vector<81x1xf32>
    %add3A_705 = arith.addf %get3A_701, %broadcast_in_dim3A_704 : vector<81x1xf32>
    %swap3A_706 = arith.constant 0 : index
    %swap3A_707 = arith.constant 0 : index
    %swap3A_708 = vector.load %arg19[%swap3A_706, %swap3A_707] : memref<81x1xf32, #tpu.memory_space<vmem>>, vector<81x1xf32>
    tpu.vector_store %arg19[%swap3A_706, %swap3A_707], %add3A_705 {strides = array<i32>} : memref<81x1xf32, #tpu.memory_space<vmem>>, vector<81x1xf32>,
    %get3A_709 = arith.constant 0 : index
    %get3A_710 = arith.constant 0 : index
    %get3A_711 = vector.load %arg20[%get3A_709, %get3A_710] : memref<81x1xf32, #tpu.memory_space<vmem>>, vector<81x1xf32>
    %gt3A_712 = arith.constant 0.000000e+00 : f32
    %gt3A_713 = vector.broadcast %gt3A_712 : f32 to vector<81x300xf32>
    %gt3A_714 = arith.cmpf ogt, %convert_element_type3A_659, %gt3A_713 : vector<81x300xf32>
    %jit3A_715 = arith.constant 0.000000e+00 : f32
    %broadcast_in_dim3A_716 = vector.broadcast %jit3A_715 : f32 to vector<81x300xf32>
    %select_n3A_717 = arith.select %gt3A_714, %exp3A_654, %broadcast_in_dim3A_716 : vector<81x300xi1>, vector<81x300xf32>
    %reduce_sum3A_718 = arith.constant dense<0.000000e+00> : vector<81xf32>
    %reduce_sum3A_719 = vector.multi_reduction <add>, %select_n3A_717, %reduce_sum3A_718 [1] : vector<81x300xf32> to vector<81xf32>
    %broadcast_in_dim3A_720 = vector.shape_cast %reduce_sum3A_719 : vector<81xf32> to vector<81x1xf32>
    %add3A_721 = arith.addf %get3A_711, %broadcast_in_dim3A_720 : vector<81x1xf32>
    %swap3A_722 = arith.constant 0 : index
    %swap3A_723 = arith.constant 0 : index
    %swap3A_724 = vector.load %arg20[%swap3A_722, %swap3A_723] : memref<81x1xf32, #tpu.memory_space<vmem>>, vector<81x1xf32>
    tpu.vector_store %arg20[%swap3A_722, %swap3A_723], %add3A_721 {strides = array<i32>} : memref<81x1xf32, #tpu.memory_space<vmem>>, vector<81x1xf32>,
    %eq3A_725 = arith.constant 15 : i32
    %eq3A_726 = arith.cmpi eq, %arg0, %eq3A_725 : i32
    %convert_element_type3A_727 = arith.extui %eq3A_726 : i1 to i32
    %cond3A_728 = arith.constant 0 : i32
    %cond3A_729 = arith.cmpi ne, %convert_element_type3A_727, %cond3A_728 : i32
    scf.if %cond3A_729 {
      %get3A_730 = arith.constant 0 : index
      %get3A_731 = arith.constant 0 : index
      %get3A_732 = vector.load %arg17[%get3A_730, %get3A_731] : memref<1x1xf32, #tpu.memory_space<vmem>>, vector<1x1xf32>
      %get3A_733 = vector.extract %get3A_732[0, 0] : f32 from vector<1x1xf32>
      %get3A_734 = arith.constant 0 : index
      %get3A_735 = arith.constant 0 : index
      %get3A_736 = vector.load %arg18[%get3A_734, %get3A_735] : memref<1x1xf32, #tpu.memory_space<vmem>>, vector<1x1xf32>
      %get3A_737 = vector.extract %get3A_736[0, 0] : f32 from vector<1x1xf32>
      %gt3A_738 = arith.constant 0.000000e+00 : f32
      %gt3A_739 = arith.cmpf ogt, %get3A_737, %gt3A_738 : f32
      %max3A_740 = arith.constant 1.000000e+00 : f32
      %max3A_741 = arith.maximumf %get3A_737, %max3A_740 : f32
      %div3A_742 = arith.divf %get3A_733, %max3A_741 : f32
      %jit3A_743 = arith.constant 0.000000e+00 : f32
      %select_n3A_744 = arith.select %gt3A_739, %div3A_742, %jit3A_743 : f32
      %get3A_745 = arith.constant 0 : index
      %get3A_746 = arith.constant 0 : index
      %get3A_747 = vector.load %arg16[%get3A_745, %get3A_746] : memref<81x1xf32, #tpu.memory_space<vmem>>, vector<81x1xf32>
      %get3A_748 = arith.constant 0 : index
      %get3A_749 = arith.constant 0 : index
      %get3A_750 = vector.load %arg19[%get3A_748, %get3A_749] : memref<81x1xf32, #tpu.memory_space<vmem>>, vector<81x1xf32>
      %add3A_751 = arith.addf %get3A_747, %get3A_750 : vector<81x1xf32>
      %get3A_752 = arith.constant 0 : index
      %get3A_753 = arith.constant 0 : index
      %get3A_754 = vector.load %arg20[%get3A_752, %get3A_753] : memref<81x1xf32, #tpu.memory_space<vmem>>, vector<81x1xf32>
      %sub3A_755 = arith.subf %add3A_751, %get3A_754 : vector<81x1xf32>
      %get3A_756 = arith.constant 0 : index
      %get3A_757 = arith.constant 0 : index
      %get3A_758 = arith.constant 0 : index
      %get3A_759 = vector.load %arg10[%get3A_756, %get3A_757, %get3A_758] : memref<16x1x300xi32, #tpu.memory_space<vmem>>, vector<1x1x300xi32>
      %get3A_760 = vector.shape_cast %get3A_759 : vector<1x1x300xi32> to vector<1x300xi32>
      %get3A_761 = arith.constant 0 : index
      %get3A_762 = arith.constant 0 : index
      %get3A_763 = vector.load %arg21[%get3A_761, %get3A_762] : memref<16x300xf32, #tpu.memory_space<vmem>>, vector<1x300xf32>
      %iota3A_764 = tpu.iota {dimensions = array<i32: 0>} : vector<81x300xi32>
      %eq3A_765 = vector.broadcast %get3A_760 : vector<1x300xi32> to vector<81x300xi32>
      %eq3A_766 = arith.cmpi eq, %iota3A_764, %eq3A_765 : vector<81x300xi32>
      %jit3A_767 = arith.constant 0.000000e+00 : f32
      %broadcast_in_dim3A_768 = vector.shape_cast %sub3A_755 : vector<81x1xf32> to vector<81x1xf32>
      %broadcast_in_dim3A_769 = vector.broadcast %broadcast_in_dim3A_768 : vector<81x1xf32> to vector<81x300xf32>
      %broadcast_in_dim3A_770 = vector.broadcast %jit3A_767 : f32 to vector<81x300xf32>
      %select_n3A_771 = arith.select %eq3A_766, %broadcast_in_dim3A_769, %broadcast_in_dim3A_770 : vector<81x300xi1>, vector<81x300xf32>
      %reduce_sum3A_772 = arith.constant dense<0.000000e+00> : vector<300xf32>
      %reduce_sum3A_773 = vector.multi_reduction <add>, %select_n3A_771, %reduce_sum3A_772 [0] : vector<81x300xf32> to vector<300xf32>
      %broadcast_in_dim3A_774 = vector.shape_cast %reduce_sum3A_773 : vector<300xf32> to vector<1x300xf32>
      %exp3A_775 = math.exp %get3A_763 : vector<1x300xf32>
      %add3A_776 = arith.addf %exp3A_775, %broadcast_in_dim3A_774 : vector<1x300xf32>
      %add3A_777 = arith.constant 9.99999993E-9 : f32
      %add3A_778 = vector.broadcast %add3A_777 : f32 to vector<1x300xf32>
      %add3A_779 = arith.addf %add3A_776, %add3A_778 : vector<1x300xf32>
      %div3A_780 = arith.divf %add3A_779, %exp3A_775 : vector<1x300xf32>
      %log3A_781 = math.log %div3A_780 : vector<1x300xf32>
      %reduce_sum3A_782 = vector.shape_cast %log3A_781 : vector<1x300xf32> to vector<1x1x300xf32>
      %reduce_sum3A_783 = arith.constant dense<0.000000e+00> : vector<1xf32>
      %reduce_sum3A_784 = vector.multi_reduction <add>, %reduce_sum3A_782, %reduce_sum3A_783 [1, 2] : vector<1x1x300xf32> to vector<1xf32>
      %reduce_sum3A_785 = vector.shape_cast %reduce_sum3A_784 : vector<1xf32> to vector<1x1x1xf32>
      %reduce_sum3A_786 = vector.extract %reduce_sum3A_785[0, 0, 0] : f32 from vector<1x1x1xf32>
      %add3A_787 = arith.constant 0.000000e+00 : f32
      %add3A_788 = arith.addf %add3A_787, %reduce_sum3A_786 : f32
      %get3A_789 = arith.constant 1 : index
      %get3A_790 = arith.constant 0 : index
      %get3A_791 = arith.constant 0 : index
      %get3A_792 = vector.load %arg10[%get3A_789, %get3A_790, %get3A_791] : memref<16x1x300xi32, #tpu.memory_space<vmem>>, vector<1x1x300xi32>
      %get3A_793 = vector.shape_cast %get3A_792 : vector<1x1x300xi32> to vector<1x300xi32>
      %get3A_794 = arith.constant 1 : index
      %get3A_795 = arith.constant 0 : index
      %get3A_796 = vector.load %arg21[%get3A_794, %get3A_795] : memref<16x300xf32, #tpu.memory_space<vmem>>, vector<1x300xf32>
      %iota3A_797 = tpu.iota {dimensions = array<i32: 0>} : vector<81x300xi32>
      %eq3A_798 = vector.broadcast %get3A_793 : vector<1x300xi32> to vector<81x300xi32>
      %eq3A_799 = arith.cmpi eq, %iota3A_797, %eq3A_798 : vector<81x300xi32>
      %jit3A_800 = arith.constant 0.000000e+00 : f32
      %broadcast_in_dim3A_801 = vector.shape_cast %sub3A_755 : vector<81x1xf32> to vector<81x1xf32>
      %broadcast_in_dim3A_802 = vector.broadcast %broadcast_in_dim3A_801 : vector<81x1xf32> to vector<81x300xf32>
      %broadcast_in_dim3A_803 = vector.broadcast %jit3A_800 : f32 to vector<81x300xf32>
      %select_n3A_804 = arith.select %eq3A_799, %broadcast_in_dim3A_802, %broadcast_in_dim3A_803 : vector<81x300xi1>, vector<81x300xf32>
      %reduce_sum3A_805 = arith.constant dense<0.000000e+00> : vector<300xf32>
      %reduce_sum3A_806 = vector.multi_reduction <add>, %select_n3A_804, %reduce_sum3A_805 [0] : vector<81x300xf32> to vector<300xf32>
      %broadcast_in_dim3A_807 = vector.shape_cast %reduce_sum3A_806 : vector<300xf32> to vector<1x300xf32>
      %exp3A_808 = math.exp %get3A_796 : vector<1x300xf32>
      %add3A_809 = arith.addf %exp3A_808, %broadcast_in_dim3A_807 : vector<1x300xf32>
      %add3A_810 = arith.constant 9.99999993E-9 : f32
      %add3A_811 = vector.broadcast %add3A_810 : f32 to vector<1x300xf32>
      %add3A_812 = arith.addf %add3A_809, %add3A_811 : vector<1x300xf32>
      %div3A_813 = arith.divf %add3A_812, %exp3A_808 : vector<1x300xf32>
      %log3A_814 = math.log %div3A_813 : vector<1x300xf32>
      %reduce_sum3A_815 = vector.shape_cast %log3A_814 : vector<1x300xf32> to vector<1x1x300xf32>
      %reduce_sum3A_816 = arith.constant dense<0.000000e+00> : vector<1xf32>
      %reduce_sum3A_817 = vector.multi_reduction <add>, %reduce_sum3A_815, %reduce_sum3A_816 [1, 2] : vector<1x1x300xf32> to vector<1xf32>
      %reduce_sum3A_818 = vector.shape_cast %reduce_sum3A_817 : vector<1xf32> to vector<1x1x1xf32>
      %reduce_sum3A_819 = vector.extract %reduce_sum3A_818[0, 0, 0] : f32 from vector<1x1x1xf32>
      %add3A_820 = arith.addf %add3A_788, %reduce_sum3A_819 : f32
      %get3A_821 = arith.constant 2 : index
      %get3A_822 = arith.constant 0 : index
      %get3A_823 = arith.constant 0 : index
      %get3A_824 = vector.load %arg10[%get3A_821, %get3A_822, %get3A_823] : memref<16x1x300xi32, #tpu.memory_space<vmem>>, vector<1x1x300xi32>
      %get3A_825 = vector.shape_cast %get3A_824 : vector<1x1x300xi32> to vector<1x300xi32>
      %get3A_826 = arith.constant 2 : index
      %get3A_827 = arith.constant 0 : index
      %get3A_828 = vector.load %arg21[%get3A_826, %get3A_827] : memref<16x300xf32, #tpu.memory_space<vmem>>, vector<1x300xf32>
      %iota3A_829 = tpu.iota {dimensions = array<i32: 0>} : vector<81x300xi32>
      %eq3A_830 = vector.broadcast %get3A_825 : vector<1x300xi32> to vector<81x300xi32>
      %eq3A_831 = arith.cmpi eq, %iota3A_829, %eq3A_830 : vector<81x300xi32>
      %jit3A_832 = arith.constant 0.000000e+00 : f32
      %broadcast_in_dim3A_833 = vector.shape_cast %sub3A_755 : vector<81x1xf32> to vector<81x1xf32>
      %broadcast_in_dim3A_834 = vector.broadcast %broadcast_in_dim3A_833 : vector<81x1xf32> to vector<81x300xf32>
      %broadcast_in_dim3A_835 = vector.broadcast %jit3A_832 : f32 to vector<81x300xf32>
      %select_n3A_836 = arith.select %eq3A_831, %broadcast_in_dim3A_834, %broadcast_in_dim3A_835 : vector<81x300xi1>, vector<81x300xf32>
      %reduce_sum3A_837 = arith.constant dense<0.000000e+00> : vector<300xf32>
      %reduce_sum3A_838 = vector.multi_reduction <add>, %select_n3A_836, %reduce_sum3A_837 [0] : vector<81x300xf32> to vector<300xf32>
      %broadcast_in_dim3A_839 = vector.shape_cast %reduce_sum3A_838 : vector<300xf32> to vector<1x300xf32>
      %exp3A_840 = math.exp %get3A_828 : vector<1x300xf32>
      %add3A_841 = arith.addf %exp3A_840, %broadcast_in_dim3A_839 : vector<1x300xf32>
      %add3A_842 = arith.constant 9.99999993E-9 : f32
      %add3A_843 = vector.broadcast %add3A_842 : f32 to vector<1x300xf32>
      %add3A_844 = arith.addf %add3A_841, %add3A_843 : vector<1x300xf32>
      %div3A_845 = arith.divf %add3A_844, %exp3A_840 : vector<1x300xf32>
      %log3A_846 = math.log %div3A_845 : vector<1x300xf32>
      %reduce_sum3A_847 = vector.shape_cast %log3A_846 : vector<1x300xf32> to vector<1x1x300xf32>
      %reduce_sum3A_848 = arith.constant dense<0.000000e+00> : vector<1xf32>
      %reduce_sum3A_849 = vector.multi_reduction <add>, %reduce_sum3A_847, %reduce_sum3A_848 [1, 2] : vector<1x1x300xf32> to vector<1xf32>
      %reduce_sum3A_850 = vector.shape_cast %reduce_sum3A_849 : vector<1xf32> to vector<1x1x1xf32>
      %reduce_sum3A_851 = vector.extract %reduce_sum3A_850[0, 0, 0] : f32 from vector<1x1x1xf32>
      %add3A_852 = arith.addf %add3A_820, %reduce_sum3A_851 : f32
      %get3A_853 = arith.constant 3 : index
      %get3A_854 = arith.constant 0 : index
      %get3A_855 = arith.constant 0 : index
      %get3A_856 = vector.load %arg10[%get3A_853, %get3A_854, %get3A_855] : memref<16x1x300xi32, #tpu.memory_space<vmem>>, vector<1x1x300xi32>
      %get3A_857 = vector.shape_cast %get3A_856 : vector<1x1x300xi32> to vector<1x300xi32>
      %get3A_858 = arith.constant 3 : index
      %get3A_859 = arith.constant 0 : index
      %get3A_860 = vector.load %arg21[%get3A_858, %get3A_859] : memref<16x300xf32, #tpu.memory_space<vmem>>, vector<1x300xf32>
      %iota3A_861 = tpu.iota {dimensions = array<i32: 0>} : vector<81x300xi32>
      %eq3A_862 = vector.broadcast %get3A_857 : vector<1x300xi32> to vector<81x300xi32>
      %eq3A_863 = arith.cmpi eq, %iota3A_861, %eq3A_862 : vector<81x300xi32>
      %jit3A_864 = arith.constant 0.000000e+00 : f32
      %broadcast_in_dim3A_865 = vector.shape_cast %sub3A_755 : vector<81x1xf32> to vector<81x1xf32>
      %broadcast_in_dim3A_866 = vector.broadcast %broadcast_in_dim3A_865 : vector<81x1xf32> to vector<81x300xf32>
      %broadcast_in_dim3A_867 = vector.broadcast %jit3A_864 : f32 to vector<81x300xf32>
      %select_n3A_868 = arith.select %eq3A_863, %broadcast_in_dim3A_866, %broadcast_in_dim3A_867 : vector<81x300xi1>, vector<81x300xf32>
      %reduce_sum3A_869 = arith.constant dense<0.000000e+00> : vector<300xf32>
      %reduce_sum3A_870 = vector.multi_reduction <add>, %select_n3A_868, %reduce_sum3A_869 [0] : vector<81x300xf32> to vector<300xf32>
      %broadcast_in_dim3A_871 = vector.shape_cast %reduce_sum3A_870 : vector<300xf32> to vector<1x300xf32>
      %exp3A_872 = math.exp %get3A_860 : vector<1x300xf32>
      %add3A_873 = arith.addf %exp3A_872, %broadcast_in_dim3A_871 : vector<1x300xf32>
      %add3A_874 = arith.constant 9.99999993E-9 : f32
      %add3A_875 = vector.broadcast %add3A_874 : f32 to vector<1x300xf32>
      %add3A_876 = arith.addf %add3A_873, %add3A_875 : vector<1x300xf32>
      %div3A_877 = arith.divf %add3A_876, %exp3A_872 : vector<1x300xf32>
      %log3A_878 = math.log %div3A_877 : vector<1x300xf32>
      %reduce_sum3A_879 = vector.shape_cast %log3A_878 : vector<1x300xf32> to vector<1x1x300xf32>
      %reduce_sum3A_880 = arith.constant dense<0.000000e+00> : vector<1xf32>
      %reduce_sum3A_881 = vector.multi_reduction <add>, %reduce_sum3A_879, %reduce_sum3A_880 [1, 2] : vector<1x1x300xf32> to vector<1xf32>
      %reduce_sum3A_882 = vector.shape_cast %reduce_sum3A_881 : vector<1xf32> to vector<1x1x1xf32>
      %reduce_sum3A_883 = vector.extract %reduce_sum3A_882[0, 0, 0] : f32 from vector<1x1x1xf32>
      %add3A_884 = arith.addf %add3A_852, %reduce_sum3A_883 : f32
      %get3A_885 = arith.constant 4 : index
      %get3A_886 = arith.constant 0 : index
      %get3A_887 = arith.constant 0 : index
      %get3A_888 = vector.load %arg10[%get3A_885, %get3A_886, %get3A_887] : memref<16x1x300xi32, #tpu.memory_space<vmem>>, vector<1x1x300xi32>
      %get3A_889 = vector.shape_cast %get3A_888 : vector<1x1x300xi32> to vector<1x300xi32>
      %get3A_890 = arith.constant 4 : index
      %get3A_891 = arith.constant 0 : index
      %get3A_892 = vector.load %arg21[%get3A_890, %get3A_891] : memref<16x300xf32, #tpu.memory_space<vmem>>, vector<1x300xf32>
      %iota3A_893 = tpu.iota {dimensions = array<i32: 0>} : vector<81x300xi32>
      %eq3A_894 = vector.broadcast %get3A_889 : vector<1x300xi32> to vector<81x300xi32>
      %eq3A_895 = arith.cmpi eq, %iota3A_893, %eq3A_894 : vector<81x300xi32>
      %jit3A_896 = arith.constant 0.000000e+00 : f32
      %broadcast_in_dim3A_897 = vector.shape_cast %sub3A_755 : vector<81x1xf32> to vector<81x1xf32>
      %broadcast_in_dim3A_898 = vector.broadcast %broadcast_in_dim3A_897 : vector<81x1xf32> to vector<81x300xf32>
      %broadcast_in_dim3A_899 = vector.broadcast %jit3A_896 : f32 to vector<81x300xf32>
      %select_n3A_900 = arith.select %eq3A_895, %broadcast_in_dim3A_898, %broadcast_in_dim3A_899 : vector<81x300xi1>, vector<81x300xf32>
      %reduce_sum3A_901 = arith.constant dense<0.000000e+00> : vector<300xf32>
      %reduce_sum3A_902 = vector.multi_reduction <add>, %select_n3A_900, %reduce_sum3A_901 [0] : vector<81x300xf32> to vector<300xf32>
      %broadcast_in_dim3A_903 = vector.shape_cast %reduce_sum3A_902 : vector<300xf32> to vector<1x300xf32>
      %exp3A_904 = math.exp %get3A_892 : vector<1x300xf32>
      %add3A_905 = arith.addf %exp3A_904, %broadcast_in_dim3A_903 : vector<1x300xf32>
      %add3A_906 = arith.constant 9.99999993E-9 : f32
      %add3A_907 = vector.broadcast %add3A_906 : f32 to vector<1x300xf32>
      %add3A_908 = arith.addf %add3A_905, %add3A_907 : vector<1x300xf32>
      %div3A_909 = arith.divf %add3A_908, %exp3A_904 : vector<1x300xf32>
      %log3A_910 = math.log %div3A_909 : vector<1x300xf32>
      %reduce_sum3A_911 = vector.shape_cast %log3A_910 : vector<1x300xf32> to vector<1x1x300xf32>
      %reduce_sum3A_912 = arith.constant dense<0.000000e+00> : vector<1xf32>
      %reduce_sum3A_913 = vector.multi_reduction <add>, %reduce_sum3A_911, %reduce_sum3A_912 [1, 2] : vector<1x1x300xf32> to vector<1xf32>
      %reduce_sum3A_914 = vector.shape_cast %reduce_sum3A_913 : vector<1xf32> to vector<1x1x1xf32>
      %reduce_sum3A_915 = vector.extract %reduce_sum3A_914[0, 0, 0] : f32 from vector<1x1x1xf32>
      %add3A_916 = arith.addf %add3A_884, %reduce_sum3A_915 : f32
      %get3A_917 = arith.constant 5 : index
      %get3A_918 = arith.constant 0 : index
      %get3A_919 = arith.constant 0 : index
      %get3A_920 = vector.load %arg10[%get3A_917, %get3A_918, %get3A_919] : memref<16x1x300xi32, #tpu.memory_space<vmem>>, vector<1x1x300xi32>
      %get3A_921 = vector.shape_cast %get3A_920 : vector<1x1x300xi32> to vector<1x300xi32>
      %get3A_922 = arith.constant 5 : index
      %get3A_923 = arith.constant 0 : index
      %get3A_924 = vector.load %arg21[%get3A_922, %get3A_923] : memref<16x300xf32, #tpu.memory_space<vmem>>, vector<1x300xf32>
      %iota3A_925 = tpu.iota {dimensions = array<i32: 0>} : vector<81x300xi32>
      %eq3A_926 = vector.broadcast %get3A_921 : vector<1x300xi32> to vector<81x300xi32>
      %eq3A_927 = arith.cmpi eq, %iota3A_925, %eq3A_926 : vector<81x300xi32>
      %jit3A_928 = arith.constant 0.000000e+00 : f32
      %broadcast_in_dim3A_929 = vector.shape_cast %sub3A_755 : vector<81x1xf32> to vector<81x1xf32>
      %broadcast_in_dim3A_930 = vector.broadcast %broadcast_in_dim3A_929 : vector<81x1xf32> to vector<81x300xf32>
      %broadcast_in_dim3A_931 = vector.broadcast %jit3A_928 : f32 to vector<81x300xf32>
      %select_n3A_932 = arith.select %eq3A_927, %broadcast_in_dim3A_930, %broadcast_in_dim3A_931 : vector<81x300xi1>, vector<81x300xf32>
      %reduce_sum3A_933 = arith.constant dense<0.000000e+00> : vector<300xf32>
      %reduce_sum3A_934 = vector.multi_reduction <add>, %select_n3A_932, %reduce_sum3A_933 [0] : vector<81x300xf32> to vector<300xf32>
      %broadcast_in_dim3A_935 = vector.shape_cast %reduce_sum3A_934 : vector<300xf32> to vector<1x300xf32>
      %exp3A_936 = math.exp %get3A_924 : vector<1x300xf32>
      %add3A_937 = arith.addf %exp3A_936, %broadcast_in_dim3A_935 : vector<1x300xf32>
      %add3A_938 = arith.constant 9.99999993E-9 : f32
      %add3A_939 = vector.broadcast %add3A_938 : f32 to vector<1x300xf32>
      %add3A_940 = arith.addf %add3A_937, %add3A_939 : vector<1x300xf32>
      %div3A_941 = arith.divf %add3A_940, %exp3A_936 : vector<1x300xf32>
      %log3A_942 = math.log %div3A_941 : vector<1x300xf32>
      %reduce_sum3A_943 = vector.shape_cast %log3A_942 : vector<1x300xf32> to vector<1x1x300xf32>
      %reduce_sum3A_944 = arith.constant dense<0.000000e+00> : vector<1xf32>
      %reduce_sum3A_945 = vector.multi_reduction <add>, %reduce_sum3A_943, %reduce_sum3A_944 [1, 2] : vector<1x1x300xf32> to vector<1xf32>
      %reduce_sum3A_946 = vector.shape_cast %reduce_sum3A_945 : vector<1xf32> to vector<1x1x1xf32>
      %reduce_sum3A_947 = vector.extract %reduce_sum3A_946[0, 0, 0] : f32 from vector<1x1x1xf32>
      %add3A_948 = arith.addf %add3A_916, %reduce_sum3A_947 : f32
      %get3A_949 = arith.constant 6 : index
      %get3A_950 = arith.constant 0 : index
      %get3A_951 = arith.constant 0 : index
      %get3A_952 = vector.load %arg10[%get3A_949, %get3A_950, %get3A_951] : memref<16x1x300xi32, #tpu.memory_space<vmem>>, vector<1x1x300xi32>
      %get3A_953 = vector.shape_cast %get3A_952 : vector<1x1x300xi32> to vector<1x300xi32>
      %get3A_954 = arith.constant 6 : index
      %get3A_955 = arith.constant 0 : index
      %get3A_956 = vector.load %arg21[%get3A_954, %get3A_955] : memref<16x300xf32, #tpu.memory_space<vmem>>, vector<1x300xf32>
      %iota3A_957 = tpu.iota {dimensions = array<i32: 0>} : vector<81x300xi32>
      %eq3A_958 = vector.broadcast %get3A_953 : vector<1x300xi32> to vector<81x300xi32>
      %eq3A_959 = arith.cmpi eq, %iota3A_957, %eq3A_958 : vector<81x300xi32>
      %jit3A_960 = arith.constant 0.000000e+00 : f32
      %broadcast_in_dim3A_961 = vector.shape_cast %sub3A_755 : vector<81x1xf32> to vector<81x1xf32>
      %broadcast_in_dim3A_962 = vector.broadcast %broadcast_in_dim3A_961 : vector<81x1xf32> to vector<81x300xf32>
      %broadcast_in_dim3A_963 = vector.broadcast %jit3A_960 : f32 to vector<81x300xf32>
      %select_n3A_964 = arith.select %eq3A_959, %broadcast_in_dim3A_962, %broadcast_in_dim3A_963 : vector<81x300xi1>, vector<81x300xf32>
      %reduce_sum3A_965 = arith.constant dense<0.000000e+00> : vector<300xf32>
      %reduce_sum3A_966 = vector.multi_reduction <add>, %select_n3A_964, %reduce_sum3A_965 [0] : vector<81x300xf32> to vector<300xf32>
      %broadcast_in_dim3A_967 = vector.shape_cast %reduce_sum3A_966 : vector<300xf32> to vector<1x300xf32>
      %exp3A_968 = math.exp %get3A_956 : vector<1x300xf32>
      %add3A_969 = arith.addf %exp3A_968, %broadcast_in_dim3A_967 : vector<1x300xf32>
      %add3A_970 = arith.constant 9.99999993E-9 : f32
      %add3A_971 = vector.broadcast %add3A_970 : f32 to vector<1x300xf32>
      %add3A_972 = arith.addf %add3A_969, %add3A_971 : vector<1x300xf32>
      %div3A_973 = arith.divf %add3A_972, %exp3A_968 : vector<1x300xf32>
      %log3A_974 = math.log %div3A_973 : vector<1x300xf32>
      %reduce_sum3A_975 = vector.shape_cast %log3A_974 : vector<1x300xf32> to vector<1x1x300xf32>
      %reduce_sum3A_976 = arith.constant dense<0.000000e+00> : vector<1xf32>
      %reduce_sum3A_977 = vector.multi_reduction <add>, %reduce_sum3A_975, %reduce_sum3A_976 [1, 2] : vector<1x1x300xf32> to vector<1xf32>
      %reduce_sum3A_978 = vector.shape_cast %reduce_sum3A_977 : vector<1xf32> to vector<1x1x1xf32>
      %reduce_sum3A_979 = vector.extract %reduce_sum3A_978[0, 0, 0] : f32 from vector<1x1x1xf32>
      %add3A_980 = arith.addf %add3A_948, %reduce_sum3A_979 : f32
      %get3A_981 = arith.constant 7 : index
      %get3A_982 = arith.constant 0 : index
      %get3A_983 = arith.constant 0 : index
      %get3A_984 = vector.load %arg10[%get3A_981, %get3A_982, %get3A_983] : memref<16x1x300xi32, #tpu.memory_space<vmem>>, vector<1x1x300xi32>
      %get3A_985 = vector.shape_cast %get3A_984 : vector<1x1x300xi32> to vector<1x300xi32>
      %get3A_986 = arith.constant 7 : index
      %get3A_987 = arith.constant 0 : index
      %get3A_988 = vector.load %arg21[%get3A_986, %get3A_987] : memref<16x300xf32, #tpu.memory_space<vmem>>, vector<1x300xf32>
      %iota3A_989 = tpu.iota {dimensions = array<i32: 0>} : vector<81x300xi32>
      %eq3A_990 = vector.broadcast %get3A_985 : vector<1x300xi32> to vector<81x300xi32>
      %eq3A_991 = arith.cmpi eq, %iota3A_989, %eq3A_990 : vector<81x300xi32>
      %jit3A_992 = arith.constant 0.000000e+00 : f32
      %broadcast_in_dim3A_993 = vector.shape_cast %sub3A_755 : vector<81x1xf32> to vector<81x1xf32>
      %broadcast_in_dim3A_994 = vector.broadcast %broadcast_in_dim3A_993 : vector<81x1xf32> to vector<81x300xf32>
      %broadcast_in_dim3A_995 = vector.broadcast %jit3A_992 : f32 to vector<81x300xf32>
      %select_n3A_996 = arith.select %eq3A_991, %broadcast_in_dim3A_994, %broadcast_in_dim3A_995 : vector<81x300xi1>, vector<81x300xf32>
      %reduce_sum3A_997 = arith.constant dense<0.000000e+00> : vector<300xf32>
      %reduce_sum3A_998 = vector.multi_reduction <add>, %select_n3A_996, %reduce_sum3A_997 [0] : vector<81x300xf32> to vector<300xf32>
      %broadcast_in_dim3A_999 = vector.shape_cast %reduce_sum3A_998 : vector<300xf32> to vector<1x300xf32>
      %exp3A_1000 = math.exp %get3A_988 : vector<1x300xf32>
      %add3A_1001 = arith.addf %exp3A_1000, %broadcast_in_dim3A_999 : vector<1x300xf32>
      %add3A_1002 = arith.constant 9.99999993E-9 : f32
      %add3A_1003 = vector.broadcast %add3A_1002 : f32 to vector<1x300xf32>
      %add3A_1004 = arith.addf %add3A_1001, %add3A_1003 : vector<1x300xf32>
      %div3A_1005 = arith.divf %add3A_1004, %exp3A_1000 : vector<1x300xf32>
      %log3A_1006 = math.log %div3A_1005 : vector<1x300xf32>
      %reduce_sum3A_1007 = vector.shape_cast %log3A_1006 : vector<1x300xf32> to vector<1x1x300xf32>
      %reduce_sum3A_1008 = arith.constant dense<0.000000e+00> : vector<1xf32>
      %reduce_sum3A_1009 = vector.multi_reduction <add>, %reduce_sum3A_1007, %reduce_sum3A_1008 [1, 2] : vector<1x1x300xf32> to vector<1xf32>
      %reduce_sum3A_1010 = vector.shape_cast %reduce_sum3A_1009 : vector<1xf32> to vector<1x1x1xf32>
      %reduce_sum3A_1011 = vector.extract %reduce_sum3A_1010[0, 0, 0] : f32 from vector<1x1x1xf32>
      %add3A_1012 = arith.addf %add3A_980, %reduce_sum3A_1011 : f32
      %get3A_1013 = arith.constant 8 : index
      %get3A_1014 = arith.constant 0 : index
      %get3A_1015 = arith.constant 0 : index
      %get3A_1016 = vector.load %arg10[%get3A_1013, %get3A_1014, %get3A_1015] : memref<16x1x300xi32, #tpu.memory_space<vmem>>, vector<1x1x300xi32>
      %get3A_1017 = vector.shape_cast %get3A_1016 : vector<1x1x300xi32> to vector<1x300xi32>
      %get3A_1018 = arith.constant 8 : index
      %get3A_1019 = arith.constant 0 : index
      %get3A_1020 = vector.load %arg21[%get3A_1018, %get3A_1019] : memref<16x300xf32, #tpu.memory_space<vmem>>, vector<1x300xf32>
      %iota3A_1021 = tpu.iota {dimensions = array<i32: 0>} : vector<81x300xi32>
      %eq3A_1022 = vector.broadcast %get3A_1017 : vector<1x300xi32> to vector<81x300xi32>
      %eq3A_1023 = arith.cmpi eq, %iota3A_1021, %eq3A_1022 : vector<81x300xi32>
      %jit3A_1024 = arith.constant 0.000000e+00 : f32
      %broadcast_in_dim3A_1025 = vector.shape_cast %sub3A_755 : vector<81x1xf32> to vector<81x1xf32>
      %broadcast_in_dim3A_1026 = vector.broadcast %broadcast_in_dim3A_1025 : vector<81x1xf32> to vector<81x300xf32>
      %broadcast_in_dim3A_1027 = vector.broadcast %jit3A_1024 : f32 to vector<81x300xf32>
      %select_n3A_1028 = arith.select %eq3A_1023, %broadcast_in_dim3A_1026, %broadcast_in_dim3A_1027 : vector<81x300xi1>, vector<81x300xf32>
      %reduce_sum3A_1029 = arith.constant dense<0.000000e+00> : vector<300xf32>
      %reduce_sum3A_1030 = vector.multi_reduction <add>, %select_n3A_1028, %reduce_sum3A_1029 [0] : vector<81x300xf32> to vector<300xf32>
      %broadcast_in_dim3A_1031 = vector.shape_cast %reduce_sum3A_1030 : vector<300xf32> to vector<1x300xf32>
      %exp3A_1032 = math.exp %get3A_1020 : vector<1x300xf32>
      %add3A_1033 = arith.addf %exp3A_1032, %broadcast_in_dim3A_1031 : vector<1x300xf32>
      %add3A_1034 = arith.constant 9.99999993E-9 : f32
      %add3A_1035 = vector.broadcast %add3A_1034 : f32 to vector<1x300xf32>
      %add3A_1036 = arith.addf %add3A_1033, %add3A_1035 : vector<1x300xf32>
      %div3A_1037 = arith.divf %add3A_1036, %exp3A_1032 : vector<1x300xf32>
      %log3A_1038 = math.log %div3A_1037 : vector<1x300xf32>
      %reduce_sum3A_1039 = vector.shape_cast %log3A_1038 : vector<1x300xf32> to vector<1x1x300xf32>
      %reduce_sum3A_1040 = arith.constant dense<0.000000e+00> : vector<1xf32>
      %reduce_sum3A_1041 = vector.multi_reduction <add>, %reduce_sum3A_1039, %reduce_sum3A_1040 [1, 2] : vector<1x1x300xf32> to vector<1xf32>
      %reduce_sum3A_1042 = vector.shape_cast %reduce_sum3A_1041 : vector<1xf32> to vector<1x1x1xf32>
      %reduce_sum3A_1043 = vector.extract %reduce_sum3A_1042[0, 0, 0] : f32 from vector<1x1x1xf32>
      %add3A_1044 = arith.addf %add3A_1012, %reduce_sum3A_1043 : f32
      %get3A_1045 = arith.constant 9 : index
      %get3A_1046 = arith.constant 0 : index
      %get3A_1047 = arith.constant 0 : index
      %get3A_1048 = vector.load %arg10[%get3A_1045, %get3A_1046, %get3A_1047] : memref<16x1x300xi32, #tpu.memory_space<vmem>>, vector<1x1x300xi32>
      %get3A_1049 = vector.shape_cast %get3A_1048 : vector<1x1x300xi32> to vector<1x300xi32>
      %get3A_1050 = arith.constant 9 : index
      %get3A_1051 = arith.constant 0 : index
      %get3A_1052 = vector.load %arg21[%get3A_1050, %get3A_1051] : memref<16x300xf32, #tpu.memory_space<vmem>>, vector<1x300xf32>
      %iota3A_1053 = tpu.iota {dimensions = array<i32: 0>} : vector<81x300xi32>
      %eq3A_1054 = vector.broadcast %get3A_1049 : vector<1x300xi32> to vector<81x300xi32>
      %eq3A_1055 = arith.cmpi eq, %iota3A_1053, %eq3A_1054 : vector<81x300xi32>
      %jit3A_1056 = arith.constant 0.000000e+00 : f32
      %broadcast_in_dim3A_1057 = vector.shape_cast %sub3A_755 : vector<81x1xf32> to vector<81x1xf32>
      %broadcast_in_dim3A_1058 = vector.broadcast %broadcast_in_dim3A_1057 : vector<81x1xf32> to vector<81x300xf32>
      %broadcast_in_dim3A_1059 = vector.broadcast %jit3A_1056 : f32 to vector<81x300xf32>
      %select_n3A_1060 = arith.select %eq3A_1055, %broadcast_in_dim3A_1058, %broadcast_in_dim3A_1059 : vector<81x300xi1>, vector<81x300xf32>
      %reduce_sum3A_1061 = arith.constant dense<0.000000e+00> : vector<300xf32>
      %reduce_sum3A_1062 = vector.multi_reduction <add>, %select_n3A_1060, %reduce_sum3A_1061 [0] : vector<81x300xf32> to vector<300xf32>
      %broadcast_in_dim3A_1063 = vector.shape_cast %reduce_sum3A_1062 : vector<300xf32> to vector<1x300xf32>
      %exp3A_1064 = math.exp %get3A_1052 : vector<1x300xf32>
      %add3A_1065 = arith.addf %exp3A_1064, %broadcast_in_dim3A_1063 : vector<1x300xf32>
      %add3A_1066 = arith.constant 9.99999993E-9 : f32
      %add3A_1067 = vector.broadcast %add3A_1066 : f32 to vector<1x300xf32>
      %add3A_1068 = arith.addf %add3A_1065, %add3A_1067 : vector<1x300xf32>
      %div3A_1069 = arith.divf %add3A_1068, %exp3A_1064 : vector<1x300xf32>
      %log3A_1070 = math.log %div3A_1069 : vector<1x300xf32>
      %reduce_sum3A_1071 = vector.shape_cast %log3A_1070 : vector<1x300xf32> to vector<1x1x300xf32>
      %reduce_sum3A_1072 = arith.constant dense<0.000000e+00> : vector<1xf32>
      %reduce_sum3A_1073 = vector.multi_reduction <add>, %reduce_sum3A_1071, %reduce_sum3A_1072 [1, 2] : vector<1x1x300xf32> to vector<1xf32>
      %reduce_sum3A_1074 = vector.shape_cast %reduce_sum3A_1073 : vector<1xf32> to vector<1x1x1xf32>
      %reduce_sum3A_1075 = vector.extract %reduce_sum3A_1074[0, 0, 0] : f32 from vector<1x1x1xf32>
      %add3A_1076 = arith.addf %add3A_1044, %reduce_sum3A_1075 : f32
      %get3A_1077 = arith.constant 10 : index
      %get3A_1078 = arith.constant 0 : index
      %get3A_1079 = arith.constant 0 : index
      %get3A_1080 = vector.load %arg10[%get3A_1077, %get3A_1078, %get3A_1079] : memref<16x1x300xi32, #tpu.memory_space<vmem>>, vector<1x1x300xi32>
      %get3A_1081 = vector.shape_cast %get3A_1080 : vector<1x1x300xi32> to vector<1x300xi32>
      %get3A_1082 = arith.constant 10 : index
      %get3A_1083 = arith.constant 0 : index
      %get3A_1084 = vector.load %arg21[%get3A_1082, %get3A_1083] : memref<16x300xf32, #tpu.memory_space<vmem>>, vector<1x300xf32>
      %iota3A_1085 = tpu.iota {dimensions = array<i32: 0>} : vector<81x300xi32>
      %eq3A_1086 = vector.broadcast %get3A_1081 : vector<1x300xi32> to vector<81x300xi32>
      %eq3A_1087 = arith.cmpi eq, %iota3A_1085, %eq3A_1086 : vector<81x300xi32>
      %jit3A_1088 = arith.constant 0.000000e+00 : f32
      %broadcast_in_dim3A_1089 = vector.shape_cast %sub3A_755 : vector<81x1xf32> to vector<81x1xf32>
      %broadcast_in_dim3A_1090 = vector.broadcast %broadcast_in_dim3A_1089 : vector<81x1xf32> to vector<81x300xf32>
      %broadcast_in_dim3A_1091 = vector.broadcast %jit3A_1088 : f32 to vector<81x300xf32>
      %select_n3A_1092 = arith.select %eq3A_1087, %broadcast_in_dim3A_1090, %broadcast_in_dim3A_1091 : vector<81x300xi1>, vector<81x300xf32>
      %reduce_sum3A_1093 = arith.constant dense<0.000000e+00> : vector<300xf32>
      %reduce_sum3A_1094 = vector.multi_reduction <add>, %select_n3A_1092, %reduce_sum3A_1093 [0] : vector<81x300xf32> to vector<300xf32>
      %broadcast_in_dim3A_1095 = vector.shape_cast %reduce_sum3A_1094 : vector<300xf32> to vector<1x300xf32>
      %exp3A_1096 = math.exp %get3A_1084 : vector<1x300xf32>
      %add3A_1097 = arith.addf %exp3A_1096, %broadcast_in_dim3A_1095 : vector<1x300xf32>
      %add3A_1098 = arith.constant 9.99999993E-9 : f32
      %add3A_1099 = vector.broadcast %add3A_1098 : f32 to vector<1x300xf32>
      %add3A_1100 = arith.addf %add3A_1097, %add3A_1099 : vector<1x300xf32>
      %div3A_1101 = arith.divf %add3A_1100, %exp3A_1096 : vector<1x300xf32>
      %log3A_1102 = math.log %div3A_1101 : vector<1x300xf32>
      %reduce_sum3A_1103 = vector.shape_cast %log3A_1102 : vector<1x300xf32> to vector<1x1x300xf32>
      %reduce_sum3A_1104 = arith.constant dense<0.000000e+00> : vector<1xf32>
      %reduce_sum3A_1105 = vector.multi_reduction <add>, %reduce_sum3A_1103, %reduce_sum3A_1104 [1, 2] : vector<1x1x300xf32> to vector<1xf32>
      %reduce_sum3A_1106 = vector.shape_cast %reduce_sum3A_1105 : vector<1xf32> to vector<1x1x1xf32>
      %reduce_sum3A_1107 = vector.extract %reduce_sum3A_1106[0, 0, 0] : f32 from vector<1x1x1xf32>
      %add3A_1108 = arith.addf %add3A_1076, %reduce_sum3A_1107 : f32
      %get3A_1109 = arith.constant 11 : index
      %get3A_1110 = arith.constant 0 : index
      %get3A_1111 = arith.constant 0 : index
      %get3A_1112 = vector.load %arg10[%get3A_1109, %get3A_1110, %get3A_1111] : memref<16x1x300xi32, #tpu.memory_space<vmem>>, vector<1x1x300xi32>
      %get3A_1113 = vector.shape_cast %get3A_1112 : vector<1x1x300xi32> to vector<1x300xi32>
      %get3A_1114 = arith.constant 11 : index
      %get3A_1115 = arith.constant 0 : index
      %get3A_1116 = vector.load %arg21[%get3A_1114, %get3A_1115] : memref<16x300xf32, #tpu.memory_space<vmem>>, vector<1x300xf32>
      %iota3A_1117 = tpu.iota {dimensions = array<i32: 0>} : vector<81x300xi32>
      %eq3A_1118 = vector.broadcast %get3A_1113 : vector<1x300xi32> to vector<81x300xi32>
      %eq3A_1119 = arith.cmpi eq, %iota3A_1117, %eq3A_1118 : vector<81x300xi32>
      %jit3A_1120 = arith.constant 0.000000e+00 : f32
      %broadcast_in_dim3A_1121 = vector.shape_cast %sub3A_755 : vector<81x1xf32> to vector<81x1xf32>
      %broadcast_in_dim3A_1122 = vector.broadcast %broadcast_in_dim3A_1121 : vector<81x1xf32> to vector<81x300xf32>
      %broadcast_in_dim3A_1123 = vector.broadcast %jit3A_1120 : f32 to vector<81x300xf32>
      %select_n3A_1124 = arith.select %eq3A_1119, %broadcast_in_dim3A_1122, %broadcast_in_dim3A_1123 : vector<81x300xi1>, vector<81x300xf32>
      %reduce_sum3A_1125 = arith.constant dense<0.000000e+00> : vector<300xf32>
      %reduce_sum3A_1126 = vector.multi_reduction <add>, %select_n3A_1124, %reduce_sum3A_1125 [0] : vector<81x300xf32> to vector<300xf32>
      %broadcast_in_dim3A_1127 = vector.shape_cast %reduce_sum3A_1126 : vector<300xf32> to vector<1x300xf32>
      %exp3A_1128 = math.exp %get3A_1116 : vector<1x300xf32>
      %add3A_1129 = arith.addf %exp3A_1128, %broadcast_in_dim3A_1127 : vector<1x300xf32>
      %add3A_1130 = arith.constant 9.99999993E-9 : f32
      %add3A_1131 = vector.broadcast %add3A_1130 : f32 to vector<1x300xf32>
      %add3A_1132 = arith.addf %add3A_1129, %add3A_1131 : vector<1x300xf32>
      %div3A_1133 = arith.divf %add3A_1132, %exp3A_1128 : vector<1x300xf32>
      %log3A_1134 = math.log %div3A_1133 : vector<1x300xf32>
      %reduce_sum3A_1135 = vector.shape_cast %log3A_1134 : vector<1x300xf32> to vector<1x1x300xf32>
      %reduce_sum3A_1136 = arith.constant dense<0.000000e+00> : vector<1xf32>
      %reduce_sum3A_1137 = vector.multi_reduction <add>, %reduce_sum3A_1135, %reduce_sum3A_1136 [1, 2] : vector<1x1x300xf32> to vector<1xf32>
      %reduce_sum3A_1138 = vector.shape_cast %reduce_sum3A_1137 : vector<1xf32> to vector<1x1x1xf32>
      %reduce_sum3A_1139 = vector.extract %reduce_sum3A_1138[0, 0, 0] : f32 from vector<1x1x1xf32>
      %add3A_1140 = arith.addf %add3A_1108, %reduce_sum3A_1139 : f32
      %get3A_1141 = arith.constant 12 : index
      %get3A_1142 = arith.constant 0 : index
      %get3A_1143 = arith.constant 0 : index
      %get3A_1144 = vector.load %arg10[%get3A_1141, %get3A_1142, %get3A_1143] : memref<16x1x300xi32, #tpu.memory_space<vmem>>, vector<1x1x300xi32>
      %get3A_1145 = vector.shape_cast %get3A_1144 : vector<1x1x300xi32> to vector<1x300xi32>
      %get3A_1146 = arith.constant 12 : index
      %get3A_1147 = arith.constant 0 : index
      %get3A_1148 = vector.load %arg21[%get3A_1146, %get3A_1147] : memref<16x300xf32, #tpu.memory_space<vmem>>, vector<1x300xf32>
      %iota3A_1149 = tpu.iota {dimensions = array<i32: 0>} : vector<81x300xi32>
      %eq3A_1150 = vector.broadcast %get3A_1145 : vector<1x300xi32> to vector<81x300xi32>
      %eq3A_1151 = arith.cmpi eq, %iota3A_1149, %eq3A_1150 : vector<81x300xi32>
      %jit3A_1152 = arith.constant 0.000000e+00 : f32
      %broadcast_in_dim3A_1153 = vector.shape_cast %sub3A_755 : vector<81x1xf32> to vector<81x1xf32>
      %broadcast_in_dim3A_1154 = vector.broadcast %broadcast_in_dim3A_1153 : vector<81x1xf32> to vector<81x300xf32>
      %broadcast_in_dim3A_1155 = vector.broadcast %jit3A_1152 : f32 to vector<81x300xf32>
      %select_n3A_1156 = arith.select %eq3A_1151, %broadcast_in_dim3A_1154, %broadcast_in_dim3A_1155 : vector<81x300xi1>, vector<81x300xf32>
      %reduce_sum3A_1157 = arith.constant dense<0.000000e+00> : vector<300xf32>
      %reduce_sum3A_1158 = vector.multi_reduction <add>, %select_n3A_1156, %reduce_sum3A_1157 [0] : vector<81x300xf32> to vector<300xf32>
      %broadcast_in_dim3A_1159 = vector.shape_cast %reduce_sum3A_1158 : vector<300xf32> to vector<1x300xf32>
      %exp3A_1160 = math.exp %get3A_1148 : vector<1x300xf32>
      %add3A_1161 = arith.addf %exp3A_1160, %broadcast_in_dim3A_1159 : vector<1x300xf32>
      %add3A_1162 = arith.constant 9.99999993E-9 : f32
      %add3A_1163 = vector.broadcast %add3A_1162 : f32 to vector<1x300xf32>
      %add3A_1164 = arith.addf %add3A_1161, %add3A_1163 : vector<1x300xf32>
      %div3A_1165 = arith.divf %add3A_1164, %exp3A_1160 : vector<1x300xf32>
      %log3A_1166 = math.log %div3A_1165 : vector<1x300xf32>
      %reduce_sum3A_1167 = vector.shape_cast %log3A_1166 : vector<1x300xf32> to vector<1x1x300xf32>
      %reduce_sum3A_1168 = arith.constant dense<0.000000e+00> : vector<1xf32>
      %reduce_sum3A_1169 = vector.multi_reduction <add>, %reduce_sum3A_1167, %reduce_sum3A_1168 [1, 2] : vector<1x1x300xf32> to vector<1xf32>
      %reduce_sum3A_1170 = vector.shape_cast %reduce_sum3A_1169 : vector<1xf32> to vector<1x1x1xf32>
      %reduce_sum3A_1171 = vector.extract %reduce_sum3A_1170[0, 0, 0] : f32 from vector<1x1x1xf32>
      %add3A_1172 = arith.addf %add3A_1140, %reduce_sum3A_1171 : f32
      %get3A_1173 = arith.constant 13 : index
      %get3A_1174 = arith.constant 0 : index
      %get3A_1175 = arith.constant 0 : index
      %get3A_1176 = vector.load %arg10[%get3A_1173, %get3A_1174, %get3A_1175] : memref<16x1x300xi32, #tpu.memory_space<vmem>>, vector<1x1x300xi32>
      %get3A_1177 = vector.shape_cast %get3A_1176 : vector<1x1x300xi32> to vector<1x300xi32>
      %get3A_1178 = arith.constant 13 : index
      %get3A_1179 = arith.constant 0 : index
      %get3A_1180 = vector.load %arg21[%get3A_1178, %get3A_1179] : memref<16x300xf32, #tpu.memory_space<vmem>>, vector<1x300xf32>
      %iota3A_1181 = tpu.iota {dimensions = array<i32: 0>} : vector<81x300xi32>
      %eq3A_1182 = vector.broadcast %get3A_1177 : vector<1x300xi32> to vector<81x300xi32>
      %eq3A_1183 = arith.cmpi eq, %iota3A_1181, %eq3A_1182 : vector<81x300xi32>
      %jit3A_1184 = arith.constant 0.000000e+00 : f32
      %broadcast_in_dim3A_1185 = vector.shape_cast %sub3A_755 : vector<81x1xf32> to vector<81x1xf32>
      %broadcast_in_dim3A_1186 = vector.broadcast %broadcast_in_dim3A_1185 : vector<81x1xf32> to vector<81x300xf32>
      %broadcast_in_dim3A_1187 = vector.broadcast %jit3A_1184 : f32 to vector<81x300xf32>
      %select_n3A_1188 = arith.select %eq3A_1183, %broadcast_in_dim3A_1186, %broadcast_in_dim3A_1187 : vector<81x300xi1>, vector<81x300xf32>
      %reduce_sum3A_1189 = arith.constant dense<0.000000e+00> : vector<300xf32>
      %reduce_sum3A_1190 = vector.multi_reduction <add>, %select_n3A_1188, %reduce_sum3A_1189 [0] : vector<81x300xf32> to vector<300xf32>
      %broadcast_in_dim3A_1191 = vector.shape_cast %reduce_sum3A_1190 : vector<300xf32> to vector<1x300xf32>
      %exp3A_1192 = math.exp %get3A_1180 : vector<1x300xf32>
      %add3A_1193 = arith.addf %exp3A_1192, %broadcast_in_dim3A_1191 : vector<1x300xf32>
      %add3A_1194 = arith.constant 9.99999993E-9 : f32
      %add3A_1195 = vector.broadcast %add3A_1194 : f32 to vector<1x300xf32>
      %add3A_1196 = arith.addf %add3A_1193, %add3A_1195 : vector<1x300xf32>
      %div3A_1197 = arith.divf %add3A_1196, %exp3A_1192 : vector<1x300xf32>
      %log3A_1198 = math.log %div3A_1197 : vector<1x300xf32>
      %reduce_sum3A_1199 = vector.shape_cast %log3A_1198 : vector<1x300xf32> to vector<1x1x300xf32>
      %reduce_sum3A_1200 = arith.constant dense<0.000000e+00> : vector<1xf32>
      %reduce_sum3A_1201 = vector.multi_reduction <add>, %reduce_sum3A_1199, %reduce_sum3A_1200 [1, 2] : vector<1x1x300xf32> to vector<1xf32>
      %reduce_sum3A_1202 = vector.shape_cast %reduce_sum3A_1201 : vector<1xf32> to vector<1x1x1xf32>
      %reduce_sum3A_1203 = vector.extract %reduce_sum3A_1202[0, 0, 0] : f32 from vector<1x1x1xf32>
      %add3A_1204 = arith.addf %add3A_1172, %reduce_sum3A_1203 : f32
      %get3A_1205 = arith.constant 14 : index
      %get3A_1206 = arith.constant 0 : index
      %get3A_1207 = arith.constant 0 : index
      %get3A_1208 = vector.load %arg10[%get3A_1205, %get3A_1206, %get3A_1207] : memref<16x1x300xi32, #tpu.memory_space<vmem>>, vector<1x1x300xi32>
      %get3A_1209 = vector.shape_cast %get3A_1208 : vector<1x1x300xi32> to vector<1x300xi32>
      %get3A_1210 = arith.constant 14 : index
      %get3A_1211 = arith.constant 0 : index
      %get3A_1212 = vector.load %arg21[%get3A_1210, %get3A_1211] : memref<16x300xf32, #tpu.memory_space<vmem>>, vector<1x300xf32>
      %iota3A_1213 = tpu.iota {dimensions = array<i32: 0>} : vector<81x300xi32>
      %eq3A_1214 = vector.broadcast %get3A_1209 : vector<1x300xi32> to vector<81x300xi32>
      %eq3A_1215 = arith.cmpi eq, %iota3A_1213, %eq3A_1214 : vector<81x300xi32>
      %jit3A_1216 = arith.constant 0.000000e+00 : f32
      %broadcast_in_dim3A_1217 = vector.shape_cast %sub3A_755 : vector<81x1xf32> to vector<81x1xf32>
      %broadcast_in_dim3A_1218 = vector.broadcast %broadcast_in_dim3A_1217 : vector<81x1xf32> to vector<81x300xf32>
      %broadcast_in_dim3A_1219 = vector.broadcast %jit3A_1216 : f32 to vector<81x300xf32>
      %select_n3A_1220 = arith.select %eq3A_1215, %broadcast_in_dim3A_1218, %broadcast_in_dim3A_1219 : vector<81x300xi1>, vector<81x300xf32>
      %reduce_sum3A_1221 = arith.constant dense<0.000000e+00> : vector<300xf32>
      %reduce_sum3A_1222 = vector.multi_reduction <add>, %select_n3A_1220, %reduce_sum3A_1221 [0] : vector<81x300xf32> to vector<300xf32>
      %broadcast_in_dim3A_1223 = vector.shape_cast %reduce_sum3A_1222 : vector<300xf32> to vector<1x300xf32>
      %exp3A_1224 = math.exp %get3A_1212 : vector<1x300xf32>
      %add3A_1225 = arith.addf %exp3A_1224, %broadcast_in_dim3A_1223 : vector<1x300xf32>
      %add3A_1226 = arith.constant 9.99999993E-9 : f32
      %add3A_1227 = vector.broadcast %add3A_1226 : f32 to vector<1x300xf32>
      %add3A_1228 = arith.addf %add3A_1225, %add3A_1227 : vector<1x300xf32>
      %div3A_1229 = arith.divf %add3A_1228, %exp3A_1224 : vector<1x300xf32>
      %log3A_1230 = math.log %div3A_1229 : vector<1x300xf32>
      %reduce_sum3A_1231 = vector.shape_cast %log3A_1230 : vector<1x300xf32> to vector<1x1x300xf32>
      %reduce_sum3A_1232 = arith.constant dense<0.000000e+00> : vector<1xf32>
      %reduce_sum3A_1233 = vector.multi_reduction <add>, %reduce_sum3A_1231, %reduce_sum3A_1232 [1, 2] : vector<1x1x300xf32> to vector<1xf32>
      %reduce_sum3A_1234 = vector.shape_cast %reduce_sum3A_1233 : vector<1xf32> to vector<1x1x1xf32>
      %reduce_sum3A_1235 = vector.extract %reduce_sum3A_1234[0, 0, 0] : f32 from vector<1x1x1xf32>
      %add3A_1236 = arith.addf %add3A_1204, %reduce_sum3A_1235 : f32
      %get3A_1237 = arith.constant 15 : index
      %get3A_1238 = arith.constant 0 : index
      %get3A_1239 = arith.constant 0 : index
      %get3A_1240 = vector.load %arg10[%get3A_1237, %get3A_1238, %get3A_1239] : memref<16x1x300xi32, #tpu.memory_space<vmem>>, vector<1x1x300xi32>
      %get3A_1241 = vector.shape_cast %get3A_1240 : vector<1x1x300xi32> to vector<1x300xi32>
      %get3A_1242 = arith.constant 15 : index
      %get3A_1243 = arith.constant 0 : index
      %get3A_1244 = vector.load %arg21[%get3A_1242, %get3A_1243] : memref<16x300xf32, #tpu.memory_space<vmem>>, vector<1x300xf32>
      %iota3A_1245 = tpu.iota {dimensions = array<i32: 0>} : vector<81x300xi32>
      %eq3A_1246 = vector.broadcast %get3A_1241 : vector<1x300xi32> to vector<81x300xi32>
      %eq3A_1247 = arith.cmpi eq, %iota3A_1245, %eq3A_1246 : vector<81x300xi32>
      %jit3A_1248 = arith.constant 0.000000e+00 : f32
      %broadcast_in_dim3A_1249 = vector.shape_cast %sub3A_755 : vector<81x1xf32> to vector<81x1xf32>
      %broadcast_in_dim3A_1250 = vector.broadcast %broadcast_in_dim3A_1249 : vector<81x1xf32> to vector<81x300xf32>
      %broadcast_in_dim3A_1251 = vector.broadcast %jit3A_1248 : f32 to vector<81x300xf32>
      %select_n3A_1252 = arith.select %eq3A_1247, %broadcast_in_dim3A_1250, %broadcast_in_dim3A_1251 : vector<81x300xi1>, vector<81x300xf32>
      %reduce_sum3A_1253 = arith.constant dense<0.000000e+00> : vector<300xf32>
      %reduce_sum3A_1254 = vector.multi_reduction <add>, %select_n3A_1252, %reduce_sum3A_1253 [0] : vector<81x300xf32> to vector<300xf32>
      %broadcast_in_dim3A_1255 = vector.shape_cast %reduce_sum3A_1254 : vector<300xf32> to vector<1x300xf32>
      %exp3A_1256 = math.exp %get3A_1244 : vector<1x300xf32>
      %add3A_1257 = arith.addf %exp3A_1256, %broadcast_in_dim3A_1255 : vector<1x300xf32>
      %add3A_1258 = arith.constant 9.99999993E-9 : f32
      %add3A_1259 = vector.broadcast %add3A_1258 : f32 to vector<1x300xf32>
      %add3A_1260 = arith.addf %add3A_1257, %add3A_1259 : vector<1x300xf32>
      %div3A_1261 = arith.divf %add3A_1260, %exp3A_1256 : vector<1x300xf32>
      %log3A_1262 = math.log %div3A_1261 : vector<1x300xf32>
      %reduce_sum3A_1263 = vector.shape_cast %log3A_1262 : vector<1x300xf32> to vector<1x1x300xf32>
      %reduce_sum3A_1264 = arith.constant dense<0.000000e+00> : vector<1xf32>
      %reduce_sum3A_1265 = vector.multi_reduction <add>, %reduce_sum3A_1263, %reduce_sum3A_1264 [1, 2] : vector<1x1x300xf32> to vector<1xf32>
      %reduce_sum3A_1266 = vector.shape_cast %reduce_sum3A_1265 : vector<1xf32> to vector<1x1x1xf32>
      %reduce_sum3A_1267 = vector.extract %reduce_sum3A_1266[0, 0, 0] : f32 from vector<1x1x1xf32>
      %add3A_1268 = arith.addf %add3A_1236, %reduce_sum3A_1267 : f32
      %div3A_1269 = arith.constant 4.800000e+03 : f32
      %div3A_1270 = arith.divf %add3A_1268, %div3A_1269 : f32
      %iota3A_1271 = tpu.iota {dimensions = array<i32: 1>} : vector<1x2xi32>
      %eq3A_1272 = arith.constant 0 : i32
      %eq3A_1273 = vector.broadcast %eq3A_1272 : i32 to vector<1x2xi32>
      %eq3A_1274 = arith.cmpi eq, %iota3A_1271, %eq3A_1273 : vector<1x2xi32>
      %broadcast_in_dim3A_1275 = vector.broadcast %select_n3A_744 : f32 to vector<1x2xf32>
      %broadcast_in_dim3A_1276 = vector.broadcast %div3A_1270 : f32 to vector<1x2xf32>
      %select_n3A_1277 = arith.select %eq3A_1274, %broadcast_in_dim3A_1275, %broadcast_in_dim3A_1276 : vector<1x2xi1>, vector<1x2xf32>
      %swap3A_1278 = arith.constant 0 : index
      %swap3A_1279 = arith.constant 0 : index
      %swap3A_1280 = vector.load %arg13[%swap3A_1278, %swap3A_1279] : memref<1x2xf32, #tpu.memory_space<vmem>>, vector<1x2xf32>
      tpu.vector_store %arg13[%swap3A_1278, %swap3A_1279], %select_n3A_1277 {strides = array<i32>} : memref<1x2xf32, #tpu.memory_space<vmem>>, vector<1x2xf32>,
    } else {
    }
    return
  }
  func.func @transform_0(%arg0: i32) -> (i32, i32, i32) {
    %c0_i32 = arith.constant 0 : i32
    %c0_i32_0 = arith.constant 0 : i32
    %c0_i32_1 = arith.constant 0 : i32
    return %arg0, %c0_i32, %c0_i32_0 : i32, i32, i32
  }
  func.func @transform_1(%arg0: i32) -> (i32, i32, i32) {
    %c0_i32 = arith.constant 0 : i32
    %c0_i32_0 = arith.constant 0 : i32
    %c0_i32_1 = arith.constant 0 : i32
    return %arg0, %c0_i32, %c0_i32_0 : i32, i32, i32
  }
  func.func @transform_2(%arg0: i32) -> (i32, i32, i32) {
    %c0_i32 = arith.constant 0 : i32
    %c0_i32_0 = arith.constant 0 : i32
    %c0_i32_1 = arith.constant 0 : i32
    return %arg0, %c0_i32, %c0_i32_0 : i32, i32, i32
  }
  func.func @transform_3(%arg0: i32) -> (i32, i32, i32) {
    %c0_i32 = arith.constant 0 : i32
    %c0_i32_0 = arith.constant 0 : i32
    %c0_i32_1 = arith.constant 0 : i32
    return %arg0, %c0_i32, %c0_i32_0 : i32, i32, i32
  }
  func.func @transform_4(%arg0: i32) -> (i32, i32, i32) {
    %c0_i32 = arith.constant 0 : i32
    %c0_i32_0 = arith.constant 0 : i32
    %c0_i32_1 = arith.constant 0 : i32
    return %arg0, %c0_i32, %c0_i32_0 : i32, i32, i32
  }
  func.func @transform_5(%arg0: i32) -> (i32, i32) {
    %c0_i32 = arith.constant 0 : i32
    %c0_i32_0 = arith.constant 0 : i32
    %c0_i32_1 = arith.constant 0 : i32
    return %c0_i32, %c0_i32_0 : i32, i32
  }
  func.func @transform_6(%arg0: i32) -> (i32, i32, i32) {
    %c0_i32 = arith.constant 0 : i32
    %c0_i32_0 = arith.constant 0 : i32
    %c0_i32_1 = arith.constant 0 : i32
    %c0_i32_2 = arith.constant 0 : i32
    return %c0_i32, %c0_i32_0, %c0_i32_1 : i32, i32, i32
  }
  func.func @transform_7(%arg0: i32) -> (i32, i32) {
    %c0_i32 = arith.constant 0 : i32
    %c0_i32_0 = arith.constant 0 : i32
    %c0_i32_1 = arith.constant 0 : i32
    return %c0_i32, %c0_i32_0 : i32, i32
  }
  func.func @transform_8(%arg0: i32) -> (i32, i32) {
    %c0_i32 = arith.constant 0 : i32
    %c0_i32_0 = arith.constant 0 : i32
    %c0_i32_1 = arith.constant 0 : i32
    return %c0_i32, %c0_i32_0 : i32, i32
  }
  func.func @transform_9(%arg0: i32) -> (i32, i32, i32) {
    %c0_i32 = arith.constant 0 : i32
    %c0_i32_0 = arith.constant 0 : i32
    %c0_i32_1 = arith.constant 0 : i32
    %c0_i32_2 = arith.constant 0 : i32
    return %c0_i32, %c0_i32_0, %c0_i32_1 : i32, i32, i32
  }
  func.func @transform_10(%arg0: i32) -> (i32, i32) {
    %c0_i32 = arith.constant 0 : i32
    %c0_i32_0 = arith.constant 0 : i32
    %c0_i32_1 = arith.constant 0 : i32
    return %c0_i32, %c0_i32_0 : i32, i32
  }
  func.func @transform_11(%arg0: i32) -> (i32, i32) {
    %c0_i32 = arith.constant 0 : i32
    %c0_i32_0 = arith.constant 0 : i32
    %c0_i32_1 = arith.constant 0 : i32
    return %c0_i32, %c0_i32_0 : i32, i32
  }
  func.func @transform_12(%arg0: i32) -> (i32, i32) {
    %c0_i32 = arith.constant 0 : i32
    %c0_i32_0 = arith.constant 0 : i32
    %c0_i32_1 = arith.constant 0 : i32
    return %c0_i32, %c0_i32_0 : i32, i32
  }
}

</mosaic_0001>

<sc_bundles>
// kernel: kernel.4.cloned.1.call-start
scs
__scs_entry_jumppad:
0x0: {  	(pc) =	sbr.rel $0x88, $3  }
0x1: {  	(tag) =	ssettag $0x0;
	lr =	simm.s32 $0x1  }
0x2: {  	[smem:$0x3F9B] =	sst lr;
	_ =	strace $0xD0000000  }
0x3: {  	_ = 	snop  }
0x4: {  	_ = 	snop  }
0x5: {  	_ = 	snop  }
0x6: {  	_ = 	snop  }
0x7: {  	_ = 	snop  }
__scs_overlays_trampoline_lowered:
0x8: {  	[smem:$0x3FAA] =	sst s0  }
0x9: {  	[smem:$0x3FAB] =	sst s1  }
0xa: {  	[smem:$0x3FAC] =	sst s2  }
0xb: {  	[smem:$0x3FAD] =	sst s3  }
0xc: {  	[smem:$0x3FAE] =	sst s4  }
0xd: {  	[smem:$0x3FAF] =	sst s5  }
0xe: {  	[smem:$0x3FB0] =	sst s6  }
0xf: {  	[smem:$0x3FB1] =	sst s7  }
0x10: {  	[smem:$0x3FB2] =	sst s8  }
0x11: {  	[smem:$0x3FB3] =	sst s9;
	s0 =	simm.s32 @!p0 $0x0  }
0x12: {  	s1 =	sld [smem:$0x3F99];
	s0 =	simm.s32 @p0 $0x1  }
0x13: {  	[smem:$0x3FB4] =	sst s0;
	s0 =	simm.s32 @!p1 $0x0  }
0x14: {  	s2 =	sld [smem:$0x3F98];
	s0 =	simm.s32 @p1 $0x1  }
0x15: {  	[smem:$0x3FB5] =	sst s0;
	s0 =	simm.s32 @!p2 $0x0  }
0x16: {  	s3 =	sld [smem:$0x3FDB];
	s0 =	simm.s32 @p2 $0x1  }
0x17: {  	s4 =	simm.s32 $0x1BF5;
	[smem:$0x3FB7] =	sst s0  }
0x18: {  	s0 =	sld [smem:$0x3F9A];
	_ =	swait.ge [sflag:s4], $0x0  }
0x19: {  	s7 =	sld [smem:$0x3F9B]  }
0x1a: {  	s8 =	sadd.s32 $0xFFFFE003, lr  }
0x1b: {  	s9 =	sadd.s32 $0xFFFFFEF7, lr;
	s5 =	simm.s32 $0xFFFFFFFF;
	p2 =	slt.u32 s8, $0xFFFFF086  }
0x1c: {  	p1 =	slt.u32 s9, $0xF7A;
	s5 =	simm.s32 @!p2 $0x0  }
0x1d: {  	s5 =	simm.s32 @p1 $0x1;
	p0 =	seq.s32 s7, s2  }
0x1e: {  	s7 =	smul.u32 @!p0 $0xF7A, s2;
	p2 =	seq.s32 @!p0 s5, $0x0  }
0x1f: {  	s9 =	smul.u32 $0xF7A, s1;
	s8 =	simm.s32 @!p0 $0x1BF5;
	p2 =	por !p2, p0  }
0x20: {  	[sflag:s8] =	ssyncset.s32 @!p0 $0xFFFFF086;
	s6 =	sadd.s32 @!p0 s3, s7;
	s7 =	simm.s32 @!p0 $0x108  }
0x21: {  	s3 =	sadd.s32 s3, s9;
	s6 =	sadd.s32 @!p0 $0x88, s6;
	s7 =	simm.s32 @p2 $0x1082  }
0x22: {  	[simem:s7], [sflag:s8] =	dma.local @!p0 [hbm:s6], $0xF7A  }
0x23: {  	s9 =	sor.u32 $0xD0000000, s2;
	s6 =	simm.s32 $0x108;
	_ =	swait.ge @!p0 [sflag:s8], $0x0  }
0x24: {  	s3 =	sadd.s32 $0x88, s3;
	s6 =	simm.s32 @!p1 $0x1082;
	[sflag:s4] =	ssyncset.s32 $0xFFFFF086  }
0x25: {  	[simem:s6], [sflag:s4] =	dma.local [hbm:s3], $0xF7A  }
0x26: {  	[smem:$0x3F9B] =	sst s1;
	(tag) =	ssettag s2;
	_ =	strace s9  }
0x27: {  	s1 =	sld [smem:$0x3FAB]  }
0x28: {  	s2 =	sld [smem:$0x3FAC]  }
0x29: {  	s4 =	sld [smem:$0x3FAE]  }
0x2a: {  	p0 =	seq.s32 s5, $0x0;
	s5 =	sld [smem:$0x3FAF]  }
0x2b: {  	s6 =	sld [smem:$0x3FB0]  }
0x2c: {  	s7 =	sld [smem:$0x3FB1]  }
0x2d: {  	s3 =	simm.s32 $0x108;
	s8 =	sld [smem:$0x3FB2]  }
0x2e: {  	s3 =	simm.s32 @!p0 $0x1082;
	s9 =	sld [smem:$0x3FB3]  }
0x2f: {  	lr =	sadd.s32 s0, s3;
	s0 =	sld [smem:$0x3FAA]  }
0x30: {  	s3 =	sld [smem:$0x3FAD]  }
0x31: {  	[smem:$0x3FB6] =	sst s10  }
0x32: {  	s10 =	sld [smem:$0x3FB4];
	_ =	sdelay $0x3  }
0x33: {  	p0 =	seq.s32 s10, $0x1;
	s10 =	sld [smem:$0x3FB6];
	_ =	sdelay $0x3  }
0x34: {  	[smem:$0x3FB6] =	sst s10  }
0x35: {  	s10 =	sld [smem:$0x3FB5];
	_ =	sdelay $0x3  }
0x36: {  	p1 =	seq.s32 s10, $0x1;
	s10 =	sld [smem:$0x3FB6];
	_ =	sdelay $0x3  }
0x37: {  	[smem:$0x3FB6] =	sst s10  }
0x38: {  	s10 =	sld [smem:$0x3FB7]  }
0x39: {  	_ = 	snop;
	(pc) =	sbr.ind lr, $3  }
0x3a: {  	_ = 	snop  }
0x3b: {  	_ = 	snop  }
0x3c: {  	p2 =	seq.s32 s10, $0x1;
	s10 =	sld [smem:$0x3FB6]  }
0x3d: {  	_ =	shalt  }
0x3e: {  	_ =	shalt  }
0x3f: {  	_ =	shalt  }
0x40: {  	_ =	shalt  }
0x41: {  	_ =	shalt  }
0x42: {  	_ =	shalt  }
0x43: {  	_ =	shalt  }
0x44: {  	_ =	shalt  }
0x45: {  	_ =	shalt  }
0x46: {  	_ =	shalt  }
0x47: {  	_ =	shalt  }
0x48: {  	_ =	shalt  }
0x49: {  	_ =	shalt  }
0x4a: {  	_ =	shalt  }
0x4b: {  	_ =	shalt  }
0x4c: {  	_ =	shalt  }
0x4d: {  	_ =	shalt  }
0x4e: {  	_ =	shalt  }
0x4f: {  	_ =	shalt  }
0x50: {  	_ =	shalt  }
0x51: {  	_ =	shalt  }
0x52: {  	_ =	shalt  }
0x53: {  	_ =	shalt  }
0x54: {  	_ =	shalt  }
0x55: {  	_ =	shalt  }
0x56: {  	_ =	shalt  }
0x57: {  	_ =	shalt  }
0x58: {  	_ =	shalt  }
0x59: {  	_ =	shalt  }
0x5a: {  	_ =	shalt  }
0x5b: {  	_ =	shalt  }
0x5c: {  	_ =	shalt  }
0x5d: {  	_ =	shalt  }
0x5e: {  	_ =	shalt  }
0x5f: {  	_ =	shalt  }
0x60: {  	_ =	shalt  }
0x61: {  	_ =	shalt  }
0x62: {  	_ =	shalt  }
0x63: {  	_ =	shalt  }
0x64: {  	_ =	shalt  }
0x65: {  	_ =	shalt  }
0x66: {  	_ =	shalt  }
0x67: {  	_ =	shalt  }
0x68: {  	_ =	shalt  }
0x69: {  	_ =	shalt  }
0x6a: {  	_ =	shalt  }
0x6b: {  	_ =	shalt  }
0x6c: {  	_ =	shalt  }
0x6d: {  	_ =	shalt  }
0x6e: {  	_ =	shalt  }
0x6f: {  	_ =	shalt  }
0x70: {  	_ =	shalt  }
0x71: {  	_ =	shalt  }
0x72: {  	_ =	shalt  }
0x73: {  	_ =	shalt  }
0x74: {  	_ =	shalt  }
0x75: {  	_ =	shalt  }
0x76: {  	_ =	shalt  }
0x77: {  	_ =	shalt  }
0x78: {  	_ =	shalt  }
0x79: {  	_ =	shalt  }
0x7a: {  	_ =	shalt  }
0x7b: {  	_ =	shalt  }
0x7c: {  	_ =	shalt  }
0x7d: {  	_ =	shalt  }
0x7e: {  	_ =	shalt  }
0x7f: {  	_ =	shalt  }
0x80: {  	_ =	shalt  }
0x81: {  	_ =	shalt  }
0x82: {  	_ =	shalt  }
0x83: {  	_ =	shalt  }
0x84: {  	_ =	shalt  }
0x85: {  	_ =	shalt  }
0x86: {  	_ =	shalt  }
0x87: {  	_ =	shalt  }
.Lfunc_end0:
.L_simem_size_0:
called_computation_lowered:
.L_overlay_start_0:
0x88: {  	s2 =	sld [smem:$0x3FD9]  }
0x89: {  	s3 =	sld [smem:$0x3FFE];
	_ =	sdelay $0x1  }
0x8a: {  	s1 =	srdreg.scid  }
0x8b: {  	s0 =	sand.u32 $0x1, s1  }
0x8c: {  	s17 =	sshll.u32 s0, $0xA;
	s2 =	sadd.s32 s3, s2  }
0x8d: {  	s2 =	sadd.s32 s2, s17  }
0x8e: {  	[smem:$0x3FC2] =	sst s2  }
0x8f: {  	_ = 	snop  }
0x90: {  	s2 =	sld [smem:$0x3FC9];
	(tm) =	ssettm $0x1  }
0x91: {  	s18 =	sld [smem:$0x3FFB];
	_ =	sdelay $0x3  }
0x92: {  	_ =	strace s18  }
0x93: {  	s3 =	sld [smem:$0x3FFC];
	_ =	sdelay $0x3  }
0x94: {  	_ =	strace s3  }
0x95: {  	s3 =	sld [smem:$0x3FFD];
	_ =	sdelay $0x3  }
0x96: {  	_ =	strace s3  }
0x97: {  	_ =	strace $0x8FFFFFFF  }
0x98: {  	s19 =	sld [smem:$0x3FDB];
	_ =	sdelay $0x1  }
0x99: {  	s4 =	simm.s32 $_scs_section_size  }
0x9a: {  	s5 =	simm.s32 $_size__tile_overlayer_lowered;
	s6 =	simm.s32 $_tile_overlayer_lowered  }
0x9b: {  	s22 =	simm.s32 $0x1BFF;
	s21 =	sshll.u32 s6, $0x1;
	s3 =	sadd.s32 s4, s19  }
0x9c: {  	s7 =	simm.s32 $0x0;
	s20 =	sshll.u32 s5, $0x1;
	s5 =	sadd.s32 s21, s3  }
0x9d: {  	[timem:s7], [sflag:s22] =	dma.local [hbm:s5], s20  }
0x9e: {  	_ =	swait.ge [sflag:s22], s20  }
0x9f: {  	s4 =	ssub.s32 $0x0, s20;
	[sflag:s22] =	ssyncset.done $0x0  }
0xa0: {  	[sflag:s22] =	ssyncadd.s32 s4;
	_ =	sdelay $0x1  }
0xa1: {  	s23 =	simm.s32 $0x1B8B  }
0xa2: {  	_ =	swait.ge [sflag:s23], $0x1  }
0xa3: {  	[sflag:s23] =	ssyncset.done $0x0  }
0xa4: {  	s25 =	simm.s32 $0x1B8E;
	s24 =	sld [smem:$0x3FFE];
	[sflag:s23] =	ssyncadd.s32 $0xFFFFFFFF  }
0xa5: {  	s26 =	simm.s32 $execute0_lowered;
	[smem:$0x3FD2] =	sst s25  }
0xa6: {  	s5 =	sshll.u32 s26, $0x1;
	_ =	strace $0x80000046;
	[dreg:$0x1] =	wrdreg $0xFFFFFFFF  }
0xa7: {  	s28 =	simm.s32 $_size_execute0_lowered;
	s3 =	sadd.s32 s3, s5;
	[dreg:$0x0] =	wrdreg $0x0  }
0xa8: {  	s5 =	sshll.u32 s28, $0x1;
	[dreg:$0x2] =	wrdreg s3  }
0xa9: {  	[dreg:$0x3] =	wrdreg s5  }
0xaa: {  	[dreg:$0x4] =	wrdreg $0xC0  }
0xab: {  	_ =	task [dreg:s7], $0x5FFFF  }
0xac: {  	[dreg:$0x1] =	wrdreg $0xFFFFFFFF  }
0xad: {  	[dreg:$0x0] =	wrdreg $0x60  }
0xae: {  	[dreg:$0x2] =	wrdreg s2  }
0xaf: {  	[dreg:$0x3] =	wrdreg s24  }
0xb0: {  	[dreg:$0x4] =	wrdreg $0x9  }
0xb1: {  	_ =	task.clear_ibuf [dreg:s7], $0x5FFFF;
	_ =	strace $0x90000046  }
0xb2: {  	s29 =	simm.s32 $0x9;
	_ =	strace $0x80000048  }
0xb3: {  	_ =	swait.ge [sflag:s29], $0x1  }
0xb4: {  	[sflag:s29] =	ssyncadd.s32 $0xFFFFFFFF  }
0xb5: {  	_ =	strace $0x90000048  }
0xb6: {  	_ =	sfence  }
0xb7: {  	s30 =	sld [smem:$0x0];
	_ =	sdelay $0x2  }
0xb8: {  	s31 =	sshll.u32 s1, $0xD;
	s1 =	sshrl.u32 s1, $0x2  }
0xb9: {  	s3 =	sand.u32 $0x4000, s31;
	s1 =	sadd.s32 s1, s30  }
0xba: {  	s0 =	sor.u32 s3, s0;
	s1 =	sshll.u32 s1, $0x11  }
0xbb: {  	s0 =	sor.u32 s1, s0  }
0xbc: {  	s0 =	sadd.s32 $0x8F2B, s0  }
0xbd: {  	[sflag:s0] =	ssyncadd.remote.s32 $0x1  }
0xbe: {  	_ =	sfence.sel $0xFFFF  }
0xbf: {  	[dreg:$0x0] =	wrdreg $0xFFFFFFFF;
	(pc) =	sbr.abs _section_cstart, $3  }
0xc0: {  	[dreg:$0x1] =	wrdreg $0xFFFFFFFF  }
0xc1: {  	_ =	task.clear_ibuf [dreg:s7], $0x2FFFF;
	_ =	strace $0x9FFFFFFF  }
0xc2: {  	(tm) =	ssettm $0x7FFFFFFF  }
0xc3: {  	_ =	shalt  }
tec
execute0_lowered:
.L_overlay_start_1:
0x0: {  	(tag) =	ssettag $0x1  }
0x1: {  	s2 =	rddreg [dreg:$0x0]  }
0x2: {  	s4 =	rddreg [dreg:$0x1]  }
0x3: {  	s0 =	rddreg [dreg:$0x2]  }
0x4: {  	s5 =	srdreg.scid;
	s1 =	stileid.u32;
	s3 =	simm.s32 $0x0  }
0x5: {  	s12 =	simm.s32 $0x1080;
	s13 =	simm.s32 $0x1880;
	s14 =	simm.s32 $0x2080  }
0x6: {  	s15 =	simm.s32 $0x2880;
	s16 =	simm.s32 $0x3080;
	s17 =	simm.s32 $0x3880  }
0x7: {  	s18 =	simm.s32 $0x4080;
	s5 =	sand.u32 $0x1, s5;
	s6 =	sshll.u32 s1, $0x1  }
0x8: {  	s19 =	simm.s32 $0x4880;
	s20 =	simm.s32 $0x1;
	s6 =	sor.u32 s5, s6  }
0x9: {  	[smem:$0x7FF] =	sst s3;
	s8 =	sadd.s32 $0xE00, s4;
	s7 =	smul.u32 $0x14, s6  }
0xa: {  	s10 =	sadd.s32 $0x1200, s4;
	s5 =	ssub.s32 $0x2, s5;
	s9 =	smul.u32 $0xA0, s6  }
0xb: {  	_ =	strace $0x80000047;
	s29 =	sshrl.u32 s5, $0x1;
	s6 =	smul.u32 $0x1400, s6  }
0xc: {  	s11 =	ssub.s32 s5, s29;
	s4 =	sadd.s32 s8, s7;
	s30 =	sadd.s32 $0x50, s9  }
0xd: {  	v2 =	vlaneseq.u32;
	s5 =	sadd.s32 s10, s6;
	s31 =	sshrl.u32 s30, $0x3;
	s7 =	sshll.u32 s30, $0x5  }
0xe: {  	vm0 =	vmmov $0xffff;
	v1 =	vshrl.u32 v2, $0x3;
	s9 =	simm.s32 $0x2;
	s6 =	sadd.s32 s8, s31;
	s7 =	sadd.s32 s10, s7  }
0xf: {  	v0 =	vand.u32 $0x7, v2;
	v2 =	vor.u32 $0x8, v2;
	v1 =	vmul.u32 $0x8, v1;
	s8 =	smax.u32 s11, $0x1;
	s10 =	simm.s32 $0x80;
	s11 =	simm.s32 $0x880  }
.LBB2_1:
0x10: {  	[tilespmem:s3], [sflag:$0x2] =	stream.linear.gather [hbm4b:s4+s3], $0x50, $0x38;
	[tilespmem:$0x5080] =	vst v63  }
0x11: {  	_ =	swait.ge [sflag:s9], $0x50  }
0x12: {  	[sflag:s9] =	ssyncset.done $0x0  }
0x13: {  	[sflag:s9] =	ssyncadd.s32 $0xFFFFFFB0  }
0x14: {  	v3 =	vld [tilespmem:$0x0];
	_ =	sdelay $0x4  }
0x15: {  	v4 =	vshll.u32 v3, $0x1  }
0x16: {  	v3 =	vand.u32 $0x7, v3;
	v4 =	vand.u32 $0xFFFFFFF0, v4  }
0x17: {  	v3 =	vor.u32 v3, v4  }
0x18: {  	v4 =	vperm.xlane v3, v0;
	_ =	sdelay $0x1  }
0x19: {  	v3 =	vperm.xlane v3, v2;
	v4 =	vadd.s32 v1, v4;
	_ =	sdelay $0x1  }
0x1a: {  	v3 =	vadd.s32 v1, v3;
	_ =	sdelay $0x2  }
0x1b: {  	[tilespmem:s10], [sflag:$0x1] =	stream.indirect_vreg.gather [hbm4b:s2+s3], $0x80, v4, vm0, $0xb8;
	[tilespmem:$0x5080] =	vst v63  }
0x1c: {  	_ = 	snop  }
0x1d: {  	[tilespmem:s11], [sflag:$0x1] =	stream.indirect_vreg.gather [hbm4b:s2+s3], $0x80, v3, vm0, $0xb8;
	[tilespmem:$0x5080] =	vst v63  }
0x1e: {  	v3 =	vld [tilespmem:$0x10];
	_ =	sdelay $0x4  }
0x1f: {  	v55 =	vshll.u32 v3, $0x1  }
0x20: {  	v3 =	vand.u32 $0x7, v3;
	v4 =	vand.u32 $0xFFFFFFF0, v55  }
0x21: {  	v3 =	vor.u32 v3, v4  }
0x22: {  	v4 =	vperm.xlane v3, v0;
	_ =	sdelay $0x1  }
0x23: {  	v3 =	vperm.xlane v3, v2;
	v4 =	vadd.s32 v1, v4;
	_ =	sdelay $0x1  }
0x24: {  	v3 =	vadd.s32 v1, v3;
	_ =	sdelay $0x2  }
0x25: {  	[tilespmem:s12], [sflag:$0x1] =	stream.indirect_vreg.gather [hbm4b:s2+s3], $0x80, v4, vm0, $0xb8;
	[tilespmem:$0x5080] =	vst v63  }
0x26: {  	_ = 	snop  }
0x27: {  	[tilespmem:s13], [sflag:$0x1] =	stream.indirect_vreg.gather [hbm4b:s2+s3], $0x80, v3, vm0, $0xb8;
	[tilespmem:$0x5080] =	vst v63  }
0x28: {  	v3 =	vld [tilespmem:$0x20];
	_ =	sdelay $0x4  }
0x29: {  	v56 =	vshll.u32 v3, $0x1  }
0x2a: {  	v3 =	vand.u32 $0x7, v3;
	v4 =	vand.u32 $0xFFFFFFF0, v56  }
0x2b: {  	v3 =	vor.u32 v3, v4  }
0x2c: {  	v4 =	vperm.xlane v3, v0;
	_ =	sdelay $0x1  }
0x2d: {  	v3 =	vperm.xlane v3, v2;
	v4 =	vadd.s32 v1, v4;
	_ =	sdelay $0x1  }
0x2e: {  	v3 =	vadd.s32 v1, v3;
	_ =	sdelay $0x2  }
0x2f: {  	[tilespmem:s14], [sflag:$0x1] =	stream.indirect_vreg.gather [hbm4b:s2+s3], $0x80, v4, vm0, $0xb8;
	[tilespmem:$0x5080] =	vst v63  }
0x30: {  	_ = 	snop  }
0x31: {  	[tilespmem:s15], [sflag:$0x1] =	stream.indirect_vreg.gather [hbm4b:s2+s3], $0x80, v3, vm0, $0xb8;
	[tilespmem:$0x5080] =	vst v63  }
0x32: {  	v3 =	vld [tilespmem:$0x30];
	_ =	sdelay $0x4  }
0x33: {  	v57 =	vshll.u32 v3, $0x1  }
0x34: {  	v3 =	vand.u32 $0x7, v3;
	v4 =	vand.u32 $0xFFFFFFF0, v57  }
0x35: {  	v3 =	vor.u32 v3, v4  }
0x36: {  	v4 =	vperm.xlane v3, v0;
	_ =	sdelay $0x1  }
0x37: {  	v3 =	vperm.xlane v3, v2;
	v4 =	vadd.s32 v1, v4;
	_ =	sdelay $0x1  }
0x38: {  	v3 =	vadd.s32 v1, v3;
	_ =	sdelay $0x2  }
0x39: {  	[tilespmem:s16], [sflag:$0x1] =	stream.indirect_vreg.gather [hbm4b:s2+s3], $0x80, v4, vm0, $0xb8;
	[tilespmem:$0x5080] =	vst v63  }
0x3a: {  	_ = 	snop  }
0x3b: {  	[tilespmem:s17], [sflag:$0x1] =	stream.indirect_vreg.gather [hbm4b:s2+s3], $0x80, v3, vm0, $0xb8;
	[tilespmem:$0x5080] =	vst v63  }
0x3c: {  	v3 =	vld [tilespmem:$0x40];
	_ =	sdelay $0x4  }
0x3d: {  	v58 =	vshll.u32 v3, $0x1  }
0x3e: {  	v3 =	vand.u32 $0x7, v3;
	v4 =	vand.u32 $0xFFFFFFF0, v58  }
0x3f: {  	v3 =	vor.u32 v3, v4  }
0x40: {  	v4 =	vperm.xlane v3, v0;
	_ =	sdelay $0x1  }
0x41: {  	v3 =	vperm.xlane v3, v2;
	v4 =	vadd.s32 v1, v4;
	_ =	sdelay $0x1  }
0x42: {  	v3 =	vadd.s32 v1, v3;
	_ =	sdelay $0x2  }
0x43: {  	[tilespmem:s18], [sflag:$0x1] =	stream.indirect_vreg.gather [hbm4b:s2+s3], $0x80, v4, vm0, $0xb8;
	[tilespmem:$0x5080] =	vst v63  }
0x44: {  	_ = 	snop  }
0x45: {  	[tilespmem:s19], [sflag:$0x1] =	stream.indirect_vreg.gather [hbm4b:s2+s3], $0x80, v3, vm0, $0xb8;
	[tilespmem:$0x5080] =	vst v63  }
0x46: {  	_ =	swait.ge [sflag:s20], $0x5000  }
0x47: {  	[sflag:s20] =	ssyncset.done $0x0  }
0x48: {  	[sflag:s20] =	ssyncadd.s32 $0xFFFFB000  }
0x49: {  	[hbm4b:s5+s3] =	stream.linear.scatter [tilespmem:s10], [sflag:$0x2], $0x5000, $0x38;
	[tilespmem:$0x5080] =	vst v63  }
0x4a: {  	_ =	swait.ge [sflag:s9], $0x5000  }
0x4b: {  	[sflag:s9] =	ssyncset.done $0x0  }
0x4c: {  	[sflag:s9] =	ssyncadd.s32 $0xFFFFB000  }
0x4d: {  	[tilespmem:s3], [sflag:$0x2] =	stream.linear.gather [hbm4b:s6+s3], $0x50, $0x38;
	[tilespmem:$0x5080] =	vst v63  }
0x4e: {  	_ =	swait.ge [sflag:s9], $0x50  }
0x4f: {  	[sflag:s9] =	ssyncset.done $0x0  }
0x50: {  	[sflag:s9] =	ssyncadd.s32 $0xFFFFFFB0  }
0x51: {  	v3 =	vld [tilespmem:$0x0];
	_ =	sdelay $0x4  }
0x52: {  	v59 =	vshll.u32 v3, $0x1  }
0x53: {  	v3 =	vand.u32 $0x7, v3;
	v4 =	vand.u32 $0xFFFFFFF0, v59  }
0x54: {  	v3 =	vor.u32 v3, v4  }
0x55: {  	v4 =	vperm.xlane v3, v0;
	_ =	sdelay $0x1  }
0x56: {  	v3 =	vperm.xlane v3, v2;
	v4 =	vadd.s32 v1, v4;
	_ =	sdelay $0x1  }
0x57: {  	v3 =	vadd.s32 v1, v3;
	_ =	sdelay $0x2  }
0x58: {  	[tilespmem:s10], [sflag:$0x1] =	stream.indirect_vreg.gather [hbm4b:s2+s3], $0x80, v4, vm0, $0xb8;
	[tilespmem:$0x5080] =	vst v63  }
0x59: {  	_ = 	snop  }
0x5a: {  	[tilespmem:s11], [sflag:$0x1] =	stream.indirect_vreg.gather [hbm4b:s2+s3], $0x80, v3, vm0, $0xb8;
	[tilespmem:$0x5080] =	vst v63  }
0x5b: {  	v3 =	vld [tilespmem:$0x10];
	_ =	sdelay $0x4  }
0x5c: {  	v60 =	vshll.u32 v3, $0x1  }
0x5d: {  	v3 =	vand.u32 $0x7, v3;
	v4 =	vand.u32 $0xFFFFFFF0, v60  }
0x5e: {  	v3 =	vor.u32 v3, v4  }
0x5f: {  	v4 =	vperm.xlane v3, v0;
	_ =	sdelay $0x1  }
0x60: {  	v3 =	vperm.xlane v3, v2;
	v4 =	vadd.s32 v1, v4;
	_ =	sdelay $0x1  }
0x61: {  	v3 =	vadd.s32 v1, v3;
	_ =	sdelay $0x2  }
0x62: {  	[tilespmem:s12], [sflag:$0x1] =	stream.indirect_vreg.gather [hbm4b:s2+s3], $0x80, v4, vm0, $0xb8;
	[tilespmem:$0x5080] =	vst v63  }
0x63: {  	_ = 	snop  }
0x64: {  	[tilespmem:s13], [sflag:$0x1] =	stream.indirect_vreg.gather [hbm4b:s2+s3], $0x80, v3, vm0, $0xb8;
	[tilespmem:$0x5080] =	vst v63  }
0x65: {  	v3 =	vld [tilespmem:$0x20];
	_ =	sdelay $0x4  }
0x66: {  	v61 =	vshll.u32 v3, $0x1  }
0x67: {  	v3 =	vand.u32 $0x7, v3;
	v4 =	vand.u32 $0xFFFFFFF0, v61  }
0x68: {  	v3 =	vor.u32 v3, v4  }
0x69: {  	v4 =	vperm.xlane v3, v0;
	_ =	sdelay $0x1  }
0x6a: {  	v3 =	vperm.xlane v3, v2;
	v4 =	vadd.s32 v1, v4;
	_ =	sdelay $0x1  }
0x6b: {  	v3 =	vadd.s32 v1, v3;
	_ =	sdelay $0x2  }
0x6c: {  	[tilespmem:s14], [sflag:$0x1] =	stream.indirect_vreg.gather [hbm4b:s2+s3], $0x80, v4, vm0, $0xb8;
	[tilespmem:$0x5080] =	vst v63  }
0x6d: {  	_ = 	snop  }
0x6e: {  	[tilespmem:s15], [sflag:$0x1] =	stream.indirect_vreg.gather [hbm4b:s2+s3], $0x80, v3, vm0, $0xb8;
	[tilespmem:$0x5080] =	vst v63  }
0x6f: {  	v3 =	vld [tilespmem:$0x30];
	_ =	sdelay $0x4  }
0x70: {  	v62 =	vshll.u32 v3, $0x1  }
0x71: {  	v3 =	vand.u32 $0x7, v3;
	v4 =	vand.u32 $0xFFFFFFF0, v62  }
0x72: {  	v3 =	vor.u32 v3, v4  }
0x73: {  	v4 =	vperm.xlane v3, v0;
	_ =	sdelay $0x1  }
0x74: {  	v3 =	vperm.xlane v3, v2;
	v4 =	vadd.s32 v1, v4;
	_ =	sdelay $0x1  }
0x75: {  	v3 =	vadd.s32 v1, v3;
	_ =	sdelay $0x2  }
0x76: {  	[tilespmem:s16], [sflag:$0x1] =	stream.indirect_vreg.gather [hbm4b:s2+s3], $0x80, v4, vm0, $0xb8;
	[tilespmem:$0x5080] =	vst v63  }
0x77: {  	_ = 	snop  }
0x78: {  	[tilespmem:s17], [sflag:$0x1] =	stream.indirect_vreg.gather [hbm4b:s2+s3], $0x80, v3, vm0, $0xb8;
	[tilespmem:$0x5080] =	vst v63  }
0x79: {  	v3 =	vld [tilespmem:$0x40];
	_ =	sdelay $0x4  }
0x7a: {  	v63 =	vshll.u32 v3, $0x1  }
0x7b: {  	v3 =	vand.u32 $0x7, v3;
	v4 =	vand.u32 $0xFFFFFFF0, v63  }
0x7c: {  	v3 =	vor.u32 v3, v4  }
0x7d: {  	v4 =	vperm.xlane v3, v0;
	_ =	sdelay $0x1  }
0x7e: {  	v3 =	vperm.xlane v3, v2;
	v4 =	vadd.s32 v1, v4;
	_ =	sdelay $0x1  }
0x7f: {  	v3 =	vadd.s32 v1, v3;
	_ =	sdelay $0x2  }
0x80: {  	[tilespmem:s18], [sflag:$0x1] =	stream.indirect_vreg.gather [hbm4b:s2+s3], $0x80, v4, vm0, $0xb8;
	[tilespmem:$0x5080] =	vst v63  }
0x81: {  	_ = 	snop  }
0x82: {  	[tilespmem:s19], [sflag:$0x1] =	stream.indirect_vreg.gather [hbm4b:s2+s3], $0x80, v3, vm0, $0xb8;
	[tilespmem:$0x5080] =	vst v63  }
0x83: {  	_ =	swait.ge [sflag:s20], $0x5000  }
0x84: {  	p0 =	sne.s32 s8, $0x1;
	[sflag:s20] =	ssyncset.done $0x0  }
.Ltmp0:
0x85: {  	[sflag:s20] =	ssyncadd.s32 $0xFFFFB000;
	(pc) =	sbr.rel @p0 .LBB2_1-.Ltmp0, $4  }
0x86: {  	[hbm4b:s7+s3] =	stream.linear.scatter [tilespmem:s10], [sflag:$0x2], $0x5000, $0x38;
	[tilespmem:$0x5080] =	vst v63  }
0x87: {  	_ =	swait.ge [sflag:s9], $0x5000  }
0x88: {  	[sflag:s9] =	ssyncset.done $0x0  }
0x89: {  	s8 =	sadd.s32 $0xFFFFFFFF, s8;
	[sflag:s9] =	ssyncadd.s32 $0xFFFFB000  }
0x8a: {  	_ =	sfence.sel $0x180000  }
0x8b: {  	[bflag:$0x0] =	sbarrier.arrive $0xFFFF  }
0x8c: {  	p0 =	sne.s32 s1, $0x0;
	_ =	strace $0x90000047  }
0x8d: {  	s0 =	sadd.s32 @!p0 $0x100000, s0;
	[bflag:$0x2] =	sbarrier.arrive $0xFFFF  }
0x8e: {  	[sflag:s0] =	ssyncadd.tile.s32 @!p0 $0x1;
	_ =	shalt  }
.Lfunc_end2:
_tile_overlayer_lowered:
.L_overlay_start_2:
0x8f: {  	(tag) =	ssettag $0x2  }
0x90: {  	s0 =	rddreg [dreg:$0x0];
	s2 =	stileid.u32  }
0x91: {  	s1 =	rddreg [dreg:$0x1];
	p0 =	sne.s32 s2, $0x0  }
0x92: {  	s3 =	rddreg [dreg:$0x2];
	[bflag:$0x3] =	sbarrier.arrive $0xFFFF;
	s2 =	simm.s32 @!p0 $0x1C02  }
0x93: {  	[timem:s3], [sflag:s2] =	dma.local @!p0 [hbm:s0], s1  }
0x94: {  	s0 =	simm.s32 @!p0 $0x2  }
0x95: {  	_ =	swait.ge @!p0 [sflag:s0], s1  }
0x96: {  	s1 =	ssub.s32 @!p0 $0x0, s1;
	[sflag:s0] =	ssyncset.done @!p0 $0x0  }
0x97: {  	[sflag:s0] =	ssyncadd.s32 @!p0 s1  }
0x98: {  	[bflag:$0x3] =	sbarrier.arrive $0xFFFF  }
0x99: {  	_ =	shalt  }

</sc_bundles>
